<compile_context>
chip_gen: v7x
topology: tpu7x:2x2x1
jax: 0.10.2.dev20260603
libtpu: 0.0.44.dev20260713+nightly
codegen_flags: <defaults>
</compile_context>

<pallas_src>
import functools

import jax
import jax.numpy as jnp
from jax import lax
from jax.experimental import pallas as pl
from jax.experimental.pallas import tpu as pltpu
from jax.experimental.pallas import tpu_sc as plsc

VOCAB = 50304
DIM = 768
BATCH = 2
SEQ = 2048
N_TOK = BATCH * SEQ
NC = 2
NS = 16
NW = NC * NS
B_PER_W = N_TOK // NW
CH = 64
NCHUNK = B_PER_W // CH
NBUF = 2

_mesh = plsc.VectorSubcoreMesh(core_axis_name="c", subcore_axis_name="s")


def _make_gather(n_tables, dup):
    n_out = n_tables * (2 if dup else 1)

    @functools.partial(
        pl.kernel,
        out_type=[jax.ShapeDtypeStruct((N_TOK, DIM), jnp.float32)] * n_out,
        mesh=_mesh,
        scratch_types=[
            pltpu.VMEM((B_PER_W,), jnp.int32),
        ] + [pltpu.VMEM((CH, DIM), jnp.float32)] * NBUF
          + [pltpu.SemaphoreType.DMA] * (2 * NBUF),
    )
    def body(idx_hbm, *refs):
        tables = refs[:n_tables]
        outs = refs[n_tables:n_tables + n_out]
        idx_v = refs[n_tables + n_out]
        bufs = refs[n_tables + n_out + 1:n_tables + n_out + 1 + NBUF]
        sems = refs[n_tables + n_out + 1 + NBUF:]
        gsems = sems[:NBUF]
        osems = sems[NBUF:]
        wid = lax.axis_index("s") * NC + lax.axis_index("c")
        base = wid * B_PER_W
        w_per_b = SEQ // B_PER_W
        pltpu.sync_copy(
            idx_hbm.at[wid // w_per_b,
                       pl.ds((wid % w_per_b) * B_PER_W, B_PER_W)], idx_v)
        steps = [(t, c * CH, CH)
                 for t in range(n_tables) for c in range(NCHUNK)]
        nsteps = len(steps)

        def start_gather(s):
            t, off, n = steps[s]
            b = s % NBUF
            dst = bufs[b] if n == CH else bufs[b].at[pl.ds(0, n)]
            return pltpu.async_copy(
                tables[t].at[idx_v.at[pl.ds(off, n)]], dst, gsems[b])

        def start_out(s):
            t, off, n = steps[s]
            b = s % NBUF
            src = bufs[b] if n == CH else bufs[b].at[pl.ds(0, n)]
            ds = pl.ds(base + off, n)
            d = [pltpu.async_copy(src, outs[t].at[ds], osems[b])]
            if dup:
                d.append(pltpu.async_copy(
                    src, outs[n_tables + t].at[ds], osems[b]))
            return d

        g_desc = {0: start_gather(0)}
        o_desc = {}
        for s in range(nsteps):
            if s + 1 < nsteps:
                if s + 1 - NBUF >= 0:
                    for d in o_desc[s + 1 - NBUF]:
                        d.wait()
                g_desc[s + 1] = start_gather(s + 1)
            g_desc[s].wait()
            o_desc[s] = start_out(s)
        for s in range(max(0, nsteps - NBUF), nsteps):
            for d in o_desc[s]:
                d.wait()

    return body


_gather_dup6 = _make_gather(6, dup=True)


def kernel(inputs, W0, W1, W2, W3, W4, W5):
    idx = inputs.astype(jnp.int32)
    outs = _gather_dup6(idx, W0, W1, W2, W3, W4, W5)
    sh = (BATCH, SEQ, DIM)
    prim = list(outs[:6])
    dups = list(outs[6:])
    ve = prim + dups[::-1]
    return tuple(o.reshape(sh) for o in ve)

# --- scband reference (transcript-rebuilt; emitter-appended) ---
"""Pipeline reference for scband-value-embedding-45981919871392 (READ-ONLY COPY).

The authoritative reference and input builder live on the scoring server;
editing this copy changes nothing except your own understanding.
"""

import jax, jax.numpy as jnp
import numpy as np

VOCAB = 50304
DIM = 768
N_TABLES = 6  # num_layers // 2
BATCH = 2
SEQ = 2048


def setup_inputs(seed: int = 0) -> dict:
    key = jax.random.key(seed)
    k_idx, key = jax.random.split(key)
    inputs = jax.random.randint(k_idx, (BATCH, SEQ), 0, VOCAB, dtype=jnp.int64 if jax.config.jax_enable_x64 else jnp.int32)
    out = {"inputs": inputs}
    for i in range(N_TABLES):
        key, kw = jax.random.split(key)
        out[f"W{i}"] = jax.random.normal(kw, (VOCAB, DIM), dtype=jnp.float32) * 0.02
    return out


def reference(inputs, W0, W1, W2, W3, W4, W5):
    tables = (W0, W1, W2, W3, W4, W5)
    ve = [jnp.take(W, inputs, axis=0) for W in tables]
    ve = ve + ve[::-1]
    return tuple(ve)

if __name__ == "__main__":
    import jax
    _d = setup_inputs()
    print(jax.jit(kernel)(*tuple(_d.values())))

</pallas_src>

<mosaic_0001>
#map = affine_map<(d0, d1) -> (0, 0)>
module attributes {stable_mosaic.version = 14 : i64} {
  func.func @body(%arg0: i32, %arg1: i32, %arg2: memref<2x2048xi32, #tpu.memory_space<hbm>>, %arg3: memref<50304x768xf32, #tpu.memory_space<hbm>>, %arg4: memref<50304x768xf32, #tpu.memory_space<hbm>>, %arg5: memref<50304x768xf32, #tpu.memory_space<hbm>>, %arg6: memref<50304x768xf32, #tpu.memory_space<hbm>>, %arg7: memref<50304x768xf32, #tpu.memory_space<hbm>>, %arg8: memref<50304x768xf32, #tpu.memory_space<hbm>>, %arg9: memref<4096x768xf32, #tpu.memory_space<hbm>>, %arg10: memref<4096x768xf32, #tpu.memory_space<hbm>>, %arg11: memref<4096x768xf32, #tpu.memory_space<hbm>>, %arg12: memref<4096x768xf32, #tpu.memory_space<hbm>>, %arg13: memref<4096x768xf32, #tpu.memory_space<hbm>>, %arg14: memref<4096x768xf32, #tpu.memory_space<hbm>>, %arg15: memref<4096x768xf32, #tpu.memory_space<hbm>>, %arg16: memref<4096x768xf32, #tpu.memory_space<hbm>>, %arg17: memref<4096x768xf32, #tpu.memory_space<hbm>>, %arg18: memref<4096x768xf32, #tpu.memory_space<hbm>>, %arg19: memref<4096x768xf32, #tpu.memory_space<hbm>>, %arg20: memref<4096x768xf32, #tpu.memory_space<hbm>>, %arg21: memref<128xi32, #tpu.memory_space<vmem>>, %arg22: memref<64x768xf32, #tpu.memory_space<vmem>>, %arg23: memref<64x768xf32, #tpu.memory_space<vmem>>, %arg24: memref<!tpu.dma_semaphore, #tpu.memory_space<semaphore_mem>>, %arg25: memref<!tpu.dma_semaphore, #tpu.memory_space<semaphore_mem>>, %arg26: memref<!tpu.dma_semaphore, #tpu.memory_space<semaphore_mem>>, %arg27: memref<!tpu.dma_semaphore, #tpu.memory_space<semaphore_mem>>) attributes {dimension_semantics = [#tpu.dimension_semantics<core_parallel>, #tpu.dimension_semantics<subcore_parallel>], iteration_bounds = array<i64: 2, 16>, scalar_prefetch = 0 : i64, scratch_operands = 7 : i64, tpu.core_type = #tpu.core_type<sc_vector_subcore>, window_params = [{transform_indices = #map}, {transform_indices = #map}, {transform_indices = #map}, {transform_indices = #map}, {transform_indices = #map}, {transform_indices = #map}, {transform_indices = #map}, {transform_indices = #map}, {transform_indices = #map}, {transform_indices = #map}, {transform_indices = #map}, {transform_indices = #map}, {transform_indices = #map}, {transform_indices = #map}, {transform_indices = #map}, {transform_indices = #map}, {transform_indices = #map}, {transform_indices = #map}, {transform_indices = #map}]} {
    %mul3A = arith.constant 2 : i32
    %mul3A_0 = arith.muli %arg1, %mul3A : i32
    %add3A = arith.addi %mul3A_0, %arg0 : i32
    %mul3A_1 = arith.constant 128 : i32
    %mul3A_2 = arith.muli %add3A, %mul3A_1 : i32
    %jit3A = arith.constant 16 : i32
    %div3A = arith.divsi %add3A, %jit3A : i32
    %sign3A = arith.constant 0 : i32
    %sign3A_3 = arith.cmpi sgt, %add3A, %sign3A : i32
    %sign3A_4 = arith.extui %sign3A_3 : i1 to i32
    %sign3A_5 = arith.constant 0 : i32
    %sign3A_6 = arith.cmpi slt, %add3A, %sign3A_5 : i32
    %sign3A_7 = arith.extui %sign3A_6 : i1 to i32
    %sign3A_8 = arith.subi %sign3A_4, %sign3A_7 : i32
    %sign3A_9 = arith.constant 0 : i32
    %sign3A_10 = arith.cmpi sgt, %jit3A, %sign3A_9 : i32
    %sign3A_11 = arith.extui %sign3A_10 : i1 to i32
    %sign3A_12 = arith.constant 0 : i32
    %sign3A_13 = arith.cmpi slt, %jit3A, %sign3A_12 : i32
    %sign3A_14 = arith.extui %sign3A_13 : i1 to i32
    %sign3A_15 = arith.subi %sign3A_11, %sign3A_14 : i32
    %ne3A = arith.cmpi ne, %sign3A_8, %sign3A_15 : i32
    %rem3A = arith.remsi %add3A, %jit3A : i32
    %ne3A_16 = arith.constant 0 : i32
    %ne3A_17 = arith.cmpi ne, %rem3A, %ne3A_16 : i32
    %and3A = arith.andi %ne3A, %ne3A_17 : i1
    %sub3A = arith.constant 1 : i32
    %sub3A_18 = arith.subi %div3A, %sub3A : i32
    %select_n3A = arith.select %and3A, %sub3A_18, %div3A : i32
    %jit3A_19 = arith.constant 16 : i32
    %eq3A = arith.constant 0 : i32
    %eq3A_20 = arith.cmpi eq, %jit3A_19, %eq3A : i32
    %jit3A_21 = arith.constant 1 : i32
    %select_n3A_22 = arith.select %eq3A_20, %jit3A_21, %jit3A_19 : i32
    %rem3A_23 = arith.remsi %add3A, %select_n3A_22 : i32
    %ne3A_24 = arith.constant 0 : i32
    %ne3A_25 = arith.cmpi ne, %rem3A_23, %ne3A_24 : i32
    %lt3A = arith.constant 0 : i32
    %lt3A_26 = arith.cmpi slt, %rem3A_23, %lt3A : i32
    %lt3A_27 = arith.constant 0 : i32
    %lt3A_28 = arith.cmpi slt, %select_n3A_22, %lt3A_27 : i32
    %ne3A_29 = arith.xori %lt3A_26, %lt3A_28 : i1
    %and3A_30 = arith.andi %ne3A_29, %ne3A_25 : i1
    %add3A_31 = arith.addi %rem3A_23, %select_n3A_22 : i32
    %select_n3A_32 = arith.select %and3A_30, %add3A_31, %rem3A_23 : i32
    %mul3A_33 = arith.constant 128 : i32
    %mul3A_34 = arith.muli %select_n3A_32, %mul3A_33 : i32
    "tpu.region"() ({
      %run_scoped3A = tpu.sem_alloc : memref<!tpu.dma_semaphore, #tpu.memory_space<semaphore_mem>>
      %dma_start3A_369 = tpu.memref_slice %arg2[%select_n3A, %mul3A_34] : memref<2x2048xi32, #tpu.memory_space<hbm>> -> memref<1x128xi32, #tpu.memory_space<hbm>>
      %dma_start3A_370 = tpu.memref_squeeze %dma_start3A_369 : memref<1x128xi32, #tpu.memory_space<hbm>> -> memref<128xi32, #tpu.memory_space<hbm>>
      %dma_start3A_371 = tpu.memref_slice %arg2[%select_n3A, %mul3A_34] : memref<2x2048xi32, #tpu.memory_space<hbm>> -> memref<1x128xi32, #tpu.memory_space<hbm>>
      %dma_start3A_372 = tpu.memref_squeeze %dma_start3A_371 : memref<1x128xi32, #tpu.memory_space<hbm>> -> memref<128xi32, #tpu.memory_space<hbm>>
      tpu.enqueue_dma source(%dma_start3A_372 : memref<128xi32, #tpu.memory_space<hbm>>) target(%arg21 : memref<128xi32, #tpu.memory_space<vmem>>) target_semaphore(%run_scoped3A : memref<!tpu.dma_semaphore, #tpu.memory_space<semaphore_mem>>)
      %dma_wait3A_373 = tpu.memref_slice %arg2[%select_n3A, %mul3A_34] : memref<2x2048xi32, #tpu.memory_space<hbm>> -> memref<1x128xi32, #tpu.memory_space<hbm>>
      %dma_wait3A_374 = tpu.memref_squeeze %dma_wait3A_373 : memref<1x128xi32, #tpu.memory_space<hbm>> -> memref<128xi32, #tpu.memory_space<hbm>>
      %dma_wait3A_375 = tpu.memref_slice %arg2[%select_n3A, %mul3A_34] : memref<2x2048xi32, #tpu.memory_space<hbm>> -> memref<1x128xi32, #tpu.memory_space<hbm>>
      %dma_wait3A_376 = tpu.memref_squeeze %dma_wait3A_375 : memref<1x128xi32, #tpu.memory_space<hbm>> -> memref<128xi32, #tpu.memory_space<hbm>>
      tpu.wait_dma2 semaphore(%run_scoped3A : memref<!tpu.dma_semaphore, #tpu.memory_space<semaphore_mem>>) src(%dma_wait3A_376 : memref<128xi32, #tpu.memory_space<hbm>>) dst(%arg21 : memref<128xi32, #tpu.memory_space<vmem>>)
      tpu.yield
    }) : () -> ()
    %dma_start3A = arith.constant 0 : i32
    %dma_start3A_35 = tpu.memref_slice %arg21[%dma_start3A] : memref<128xi32, #tpu.memory_space<vmem>> -> memref<64xi32, #tpu.memory_space<vmem>>
    %dma_start3A_36 = arith.constant 0 : i32
    %dma_start3A_37 = arith.constant 0 : i32
    %dma_start3A_38 = tpu.memref_slice %arg3[%dma_start3A_36, %dma_start3A_37] : memref<50304x768xf32, #tpu.memory_space<hbm>> -> memref<50304x768xf32, #tpu.memory_space<hbm>>
    tpu.enqueue_indirect_dma source(%dma_start3A_38 : memref<50304x768xf32, #tpu.memory_space<hbm>>) target(%arg22 : memref<64x768xf32, #tpu.memory_space<vmem>>) offsets(%dma_start3A_35 : memref<64xi32, #tpu.memory_space<vmem>>) semaphore(%arg24 : memref<!tpu.dma_semaphore, #tpu.memory_space<semaphore_mem>>)
    %dma_start3A_39 = arith.constant 64 : i32
    %dma_start3A_40 = tpu.memref_slice %arg21[%dma_start3A_39] : memref<128xi32, #tpu.memory_space<vmem>> -> memref<64xi32, #tpu.memory_space<vmem>>
    %dma_start3A_41 = arith.constant 0 : i32
    %dma_start3A_42 = arith.constant 0 : i32
    %dma_start3A_43 = tpu.memref_slice %arg3[%dma_start3A_41, %dma_start3A_42] : memref<50304x768xf32, #tpu.memory_space<hbm>> -> memref<50304x768xf32, #tpu.memory_space<hbm>>
    tpu.enqueue_indirect_dma source(%dma_start3A_43 : memref<50304x768xf32, #tpu.memory_space<hbm>>) target(%arg23 : memref<64x768xf32, #tpu.memory_space<vmem>>) offsets(%dma_start3A_40 : memref<64xi32, #tpu.memory_space<vmem>>) semaphore(%arg25 : memref<!tpu.dma_semaphore, #tpu.memory_space<semaphore_mem>>)
    %dma_wait3A = arith.constant 0 : i32
    %dma_wait3A_44 = tpu.memref_slice %arg21[%dma_wait3A] : memref<128xi32, #tpu.memory_space<vmem>> -> memref<64xi32, #tpu.memory_space<vmem>>
    %dma_wait3A_45 = arith.constant 0 : i32
    %dma_wait3A_46 = arith.constant 0 : i32
    %dma_wait3A_47 = tpu.memref_slice %arg3[%dma_wait3A_45, %dma_wait3A_46] : memref<50304x768xf32, #tpu.memory_space<hbm>> -> memref<50304x768xf32, #tpu.memory_space<hbm>>
    tpu.wait_indirect_dma semaphore(%arg24 : memref<!tpu.dma_semaphore, #tpu.memory_space<semaphore_mem>>) src(%dma_wait3A_47 : memref<50304x768xf32, #tpu.memory_space<hbm>>) dst(%arg22 : memref<64x768xf32, #tpu.memory_space<vmem>>)
    %add3A_48 = arith.constant 0 : i32
    %add3A_49 = arith.addi %mul3A_2, %add3A_48 : i32
    %dma_start3A_50 = arith.constant 0 : i32
    %dma_start3A_51 = tpu.memref_slice %arg9[%add3A_49, %dma_start3A_50] : memref<4096x768xf32, #tpu.memory_space<hbm>> -> memref<64x768xf32, #tpu.memory_space<hbm>>
    %dma_start3A_52 = arith.constant 0 : i32
    %dma_start3A_53 = tpu.memref_slice %arg9[%add3A_49, %dma_start3A_52] : memref<4096x768xf32, #tpu.memory_space<hbm>> -> memref<64x768xf32, #tpu.memory_space<hbm>>
    tpu.enqueue_dma source(%arg22 : memref<64x768xf32, #tpu.memory_space<vmem>>) target(%dma_start3A_53 : memref<64x768xf32, #tpu.memory_space<hbm>>) target_semaphore(%arg26 : memref<!tpu.dma_semaphore, #tpu.memory_space<semaphore_mem>>)
    %dma_start3A_54 = arith.constant 0 : i32
    %dma_start3A_55 = tpu.memref_slice %arg15[%add3A_49, %dma_start3A_54] : memref<4096x768xf32, #tpu.memory_space<hbm>> -> memref<64x768xf32, #tpu.memory_space<hbm>>
    %dma_start3A_56 = arith.constant 0 : i32
    %dma_start3A_57 = tpu.memref_slice %arg15[%add3A_49, %dma_start3A_56] : memref<4096x768xf32, #tpu.memory_space<hbm>> -> memref<64x768xf32, #tpu.memory_space<hbm>>
    tpu.enqueue_dma source(%arg22 : memref<64x768xf32, #tpu.memory_space<vmem>>) target(%dma_start3A_57 : memref<64x768xf32, #tpu.memory_space<hbm>>) target_semaphore(%arg26 : memref<!tpu.dma_semaphore, #tpu.memory_space<semaphore_mem>>)
    %dma_wait3A_58 = arith.constant 0 : i32
    %dma_wait3A_59 = tpu.memref_slice %arg9[%add3A_49, %dma_wait3A_58] : memref<4096x768xf32, #tpu.memory_space<hbm>> -> memref<64x768xf32, #tpu.memory_space<hbm>>
    %dma_wait3A_60 = arith.constant 0 : i32
    %dma_wait3A_61 = tpu.memref_slice %arg9[%add3A_49, %dma_wait3A_60] : memref<4096x768xf32, #tpu.memory_space<hbm>> -> memref<64x768xf32, #tpu.memory_space<hbm>>
    tpu.wait_dma2 semaphore(%arg26 : memref<!tpu.dma_semaphore, #tpu.memory_space<semaphore_mem>>) src(%arg22 : memref<64x768xf32, #tpu.memory_space<vmem>>) dst(%dma_wait3A_61 : memref<64x768xf32, #tpu.memory_space<hbm>>)
    %dma_wait3A_62 = arith.constant 0 : i32
    %dma_wait3A_63 = tpu.memref_slice %arg15[%add3A_49, %dma_wait3A_62] : memref<4096x768xf32, #tpu.memory_space<hbm>> -> memref<64x768xf32, #tpu.memory_space<hbm>>
    %dma_wait3A_64 = arith.constant 0 : i32
    %dma_wait3A_65 = tpu.memref_slice %arg15[%add3A_49, %dma_wait3A_64] : memref<4096x768xf32, #tpu.memory_space<hbm>> -> memref<64x768xf32, #tpu.memory_space<hbm>>
    tpu.wait_dma2 semaphore(%arg26 : memref<!tpu.dma_semaphore, #tpu.memory_space<semaphore_mem>>) src(%arg22 : memref<64x768xf32, #tpu.memory_space<vmem>>) dst(%dma_wait3A_65 : memref<64x768xf32, #tpu.memory_space<hbm>>)
    %dma_start3A_66 = arith.constant 0 : i32
    %dma_start3A_67 = tpu.memref_slice %arg21[%dma_start3A_66] : memref<128xi32, #tpu.memory_space<vmem>> -> memref<64xi32, #tpu.memory_space<vmem>>
    %dma_start3A_68 = arith.constant 0 : i32
    %dma_start3A_69 = arith.constant 0 : i32
    %dma_start3A_70 = tpu.memref_slice %arg4[%dma_start3A_68, %dma_start3A_69] : memref<50304x768xf32, #tpu.memory_space<hbm>> -> memref<50304x768xf32, #tpu.memory_space<hbm>>
    tpu.enqueue_indirect_dma source(%dma_start3A_70 : memref<50304x768xf32, #tpu.memory_space<hbm>>) target(%arg22 : memref<64x768xf32, #tpu.memory_space<vmem>>) offsets(%dma_start3A_67 : memref<64xi32, #tpu.memory_space<vmem>>) semaphore(%arg24 : memref<!tpu.dma_semaphore, #tpu.memory_space<semaphore_mem>>)
    %dma_wait3A_71 = arith.constant 64 : i32
    %dma_wait3A_72 = tpu.memref_slice %arg21[%dma_wait3A_71] : memref<128xi32, #tpu.memory_space<vmem>> -> memref<64xi32, #tpu.memory_space<vmem>>
    %dma_wait3A_73 = arith.constant 0 : i32
    %dma_wait3A_74 = arith.constant 0 : i32
    %dma_wait3A_75 = tpu.memref_slice %arg3[%dma_wait3A_73, %dma_wait3A_74] : memref<50304x768xf32, #tpu.memory_space<hbm>> -> memref<50304x768xf32, #tpu.memory_space<hbm>>
    tpu.wait_indirect_dma semaphore(%arg25 : memref<!tpu.dma_semaphore, #tpu.memory_space<semaphore_mem>>) src(%dma_wait3A_75 : memref<50304x768xf32, #tpu.memory_space<hbm>>) dst(%arg23 : memref<64x768xf32, #tpu.memory_space<vmem>>)
    %add3A_76 = arith.constant 64 : i32
    %add3A_77 = arith.addi %mul3A_2, %add3A_76 : i32
    %dma_start3A_78 = arith.constant 0 : i32
    %dma_start3A_79 = tpu.memref_slice %arg9[%add3A_77, %dma_start3A_78] : memref<4096x768xf32, #tpu.memory_space<hbm>> -> memref<64x768xf32, #tpu.memory_space<hbm>>
    %dma_start3A_80 = arith.constant 0 : i32
    %dma_start3A_81 = tpu.memref_slice %arg9[%add3A_77, %dma_start3A_80] : memref<4096x768xf32, #tpu.memory_space<hbm>> -> memref<64x768xf32, #tpu.memory_space<hbm>>
    tpu.enqueue_dma source(%arg23 : memref<64x768xf32, #tpu.memory_space<vmem>>) target(%dma_start3A_81 : memref<64x768xf32, #tpu.memory_space<hbm>>) target_semaphore(%arg27 : memref<!tpu.dma_semaphore, #tpu.memory_space<semaphore_mem>>)
    %dma_start3A_82 = arith.constant 0 : i32
    %dma_start3A_83 = tpu.memref_slice %arg15[%add3A_77, %dma_start3A_82] : memref<4096x768xf32, #tpu.memory_space<hbm>> -> memref<64x768xf32, #tpu.memory_space<hbm>>
    %dma_start3A_84 = arith.constant 0 : i32
    %dma_start3A_85 = tpu.memref_slice %arg15[%add3A_77, %dma_start3A_84] : memref<4096x768xf32, #tpu.memory_space<hbm>> -> memref<64x768xf32, #tpu.memory_space<hbm>>
    tpu.enqueue_dma source(%arg23 : memref<64x768xf32, #tpu.memory_space<vmem>>) target(%dma_start3A_85 : memref<64x768xf32, #tpu.memory_space<hbm>>) target_semaphore(%arg27 : memref<!tpu.dma_semaphore, #tpu.memory_space<semaphore_mem>>)
    %dma_wait3A_86 = arith.constant 0 : i32
    %dma_wait3A_87 = tpu.memref_slice %arg9[%add3A_77, %dma_wait3A_86] : memref<4096x768xf32, #tpu.memory_space<hbm>> -> memref<64x768xf32, #tpu.memory_space<hbm>>
    %dma_wait3A_88 = arith.constant 0 : i32
    %dma_wait3A_89 = tpu.memref_slice %arg9[%add3A_77, %dma_wait3A_88] : memref<4096x768xf32, #tpu.memory_space<hbm>> -> memref<64x768xf32, #tpu.memory_space<hbm>>
    tpu.wait_dma2 semaphore(%arg27 : memref<!tpu.dma_semaphore, #tpu.memory_space<semaphore_mem>>) src(%arg23 : memref<64x768xf32, #tpu.memory_space<vmem>>) dst(%dma_wait3A_89 : memref<64x768xf32, #tpu.memory_space<hbm>>)
    %dma_wait3A_90 = arith.constant 0 : i32
    %dma_wait3A_91 = tpu.memref_slice %arg15[%add3A_77, %dma_wait3A_90] : memref<4096x768xf32, #tpu.memory_space<hbm>> -> memref<64x768xf32, #tpu.memory_space<hbm>>
    %dma_wait3A_92 = arith.constant 0 : i32
    %dma_wait3A_93 = tpu.memref_slice %arg15[%add3A_77, %dma_wait3A_92] : memref<4096x768xf32, #tpu.memory_space<hbm>> -> memref<64x768xf32, #tpu.memory_space<hbm>>
    tpu.wait_dma2 semaphore(%arg27 : memref<!tpu.dma_semaphore, #tpu.memory_space<semaphore_mem>>) src(%arg23 : memref<64x768xf32, #tpu.memory_space<vmem>>) dst(%dma_wait3A_93 : memref<64x768xf32, #tpu.memory_space<hbm>>)
    %dma_start3A_94 = arith.constant 64 : i32
    %dma_start3A_95 = tpu.memref_slice %arg21[%dma_start3A_94] : memref<128xi32, #tpu.memory_space<vmem>> -> memref<64xi32, #tpu.memory_space<vmem>>
    %dma_start3A_96 = arith.constant 0 : i32
    %dma_start3A_97 = arith.constant 0 : i32
    %dma_start3A_98 = tpu.memref_slice %arg4[%dma_start3A_96, %dma_start3A_97] : memref<50304x768xf32, #tpu.memory_space<hbm>> -> memref<50304x768xf32, #tpu.memory_space<hbm>>
    tpu.enqueue_indirect_dma source(%dma_start3A_98 : memref<50304x768xf32, #tpu.memory_space<hbm>>) target(%arg23 : memref<64x768xf32, #tpu.memory_space<vmem>>) offsets(%dma_start3A_95 : memref<64xi32, #tpu.memory_space<vmem>>) semaphore(%arg25 : memref<!tpu.dma_semaphore, #tpu.memory_space<semaphore_mem>>)
    %dma_wait3A_99 = arith.constant 0 : i32
    %dma_wait3A_100 = tpu.memref_slice %arg21[%dma_wait3A_99] : memref<128xi32, #tpu.memory_space<vmem>> -> memref<64xi32, #tpu.memory_space<vmem>>
    %dma_wait3A_101 = arith.constant 0 : i32
    %dma_wait3A_102 = arith.constant 0 : i32
    %dma_wait3A_103 = tpu.memref_slice %arg4[%dma_wait3A_101, %dma_wait3A_102] : memref<50304x768xf32, #tpu.memory_space<hbm>> -> memref<50304x768xf32, #tpu.memory_space<hbm>>
    tpu.wait_indirect_dma semaphore(%arg24 : memref<!tpu.dma_semaphore, #tpu.memory_space<semaphore_mem>>) src(%dma_wait3A_103 : memref<50304x768xf32, #tpu.memory_space<hbm>>) dst(%arg22 : memref<64x768xf32, #tpu.memory_space<vmem>>)
    %add3A_104 = arith.constant 0 : i32
    %add3A_105 = arith.addi %mul3A_2, %add3A_104 : i32
    %dma_start3A_106 = arith.constant 0 : i32
    %dma_start3A_107 = tpu.memref_slice %arg10[%add3A_105, %dma_start3A_106] : memref<4096x768xf32, #tpu.memory_space<hbm>> -> memref<64x768xf32, #tpu.memory_space<hbm>>
    %dma_start3A_108 = arith.constant 0 : i32
    %dma_start3A_109 = tpu.memref_slice %arg10[%add3A_105, %dma_start3A_108] : memref<4096x768xf32, #tpu.memory_space<hbm>> -> memref<64x768xf32, #tpu.memory_space<hbm>>
    tpu.enqueue_dma source(%arg22 : memref<64x768xf32, #tpu.memory_space<vmem>>) target(%dma_start3A_109 : memref<64x768xf32, #tpu.memory_space<hbm>>) target_semaphore(%arg26 : memref<!tpu.dma_semaphore, #tpu.memory_space<semaphore_mem>>)
    %dma_start3A_110 = arith.constant 0 : i32
    %dma_start3A_111 = tpu.memref_slice %arg16[%add3A_105, %dma_start3A_110] : memref<4096x768xf32, #tpu.memory_space<hbm>> -> memref<64x768xf32, #tpu.memory_space<hbm>>
    %dma_start3A_112 = arith.constant 0 : i32
    %dma_start3A_113 = tpu.memref_slice %arg16[%add3A_105, %dma_start3A_112] : memref<4096x768xf32, #tpu.memory_space<hbm>> -> memref<64x768xf32, #tpu.memory_space<hbm>>
    tpu.enqueue_dma source(%arg22 : memref<64x768xf32, #tpu.memory_space<vmem>>) target(%dma_start3A_113 : memref<64x768xf32, #tpu.memory_space<hbm>>) target_semaphore(%arg26 : memref<!tpu.dma_semaphore, #tpu.memory_space<semaphore_mem>>)
    %dma_wait3A_114 = arith.constant 0 : i32
    %dma_wait3A_115 = tpu.memref_slice %arg10[%add3A_105, %dma_wait3A_114] : memref<4096x768xf32, #tpu.memory_space<hbm>> -> memref<64x768xf32, #tpu.memory_space<hbm>>
    %dma_wait3A_116 = arith.constant 0 : i32
    %dma_wait3A_117 = tpu.memref_slice %arg10[%add3A_105, %dma_wait3A_116] : memref<4096x768xf32, #tpu.memory_space<hbm>> -> memref<64x768xf32, #tpu.memory_space<hbm>>
    tpu.wait_dma2 semaphore(%arg26 : memref<!tpu.dma_semaphore, #tpu.memory_space<semaphore_mem>>) src(%arg22 : memref<64x768xf32, #tpu.memory_space<vmem>>) dst(%dma_wait3A_117 : memref<64x768xf32, #tpu.memory_space<hbm>>)
    %dma_wait3A_118 = arith.constant 0 : i32
    %dma_wait3A_119 = tpu.memref_slice %arg16[%add3A_105, %dma_wait3A_118] : memref<4096x768xf32, #tpu.memory_space<hbm>> -> memref<64x768xf32, #tpu.memory_space<hbm>>
    %dma_wait3A_120 = arith.constant 0 : i32
    %dma_wait3A_121 = tpu.memref_slice %arg16[%add3A_105, %dma_wait3A_120] : memref<4096x768xf32, #tpu.memory_space<hbm>> -> memref<64x768xf32, #tpu.memory_space<hbm>>
    tpu.wait_dma2 semaphore(%arg26 : memref<!tpu.dma_semaphore, #tpu.memory_space<semaphore_mem>>) src(%arg22 : memref<64x768xf32, #tpu.memory_space<vmem>>) dst(%dma_wait3A_121 : memref<64x768xf32, #tpu.memory_space<hbm>>)
    %dma_start3A_122 = arith.constant 0 : i32
    %dma_start3A_123 = tpu.memref_slice %arg21[%dma_start3A_122] : memref<128xi32, #tpu.memory_space<vmem>> -> memref<64xi32, #tpu.memory_space<vmem>>
    %dma_start3A_124 = arith.constant 0 : i32
    %dma_start3A_125 = arith.constant 0 : i32
    %dma_start3A_126 = tpu.memref_slice %arg5[%dma_start3A_124, %dma_start3A_125] : memref<50304x768xf32, #tpu.memory_space<hbm>> -> memref<50304x768xf32, #tpu.memory_space<hbm>>
    tpu.enqueue_indirect_dma source(%dma_start3A_126 : memref<50304x768xf32, #tpu.memory_space<hbm>>) target(%arg22 : memref<64x768xf32, #tpu.memory_space<vmem>>) offsets(%dma_start3A_123 : memref<64xi32, #tpu.memory_space<vmem>>) semaphore(%arg24 : memref<!tpu.dma_semaphore, #tpu.memory_space<semaphore_mem>>)
    %dma_wait3A_127 = arith.constant 64 : i32
    %dma_wait3A_128 = tpu.memref_slice %arg21[%dma_wait3A_127] : memref<128xi32, #tpu.memory_space<vmem>> -> memref<64xi32, #tpu.memory_space<vmem>>
    %dma_wait3A_129 = arith.constant 0 : i32
    %dma_wait3A_130 = arith.constant 0 : i32
    %dma_wait3A_131 = tpu.memref_slice %arg4[%dma_wait3A_129, %dma_wait3A_130] : memref<50304x768xf32, #tpu.memory_space<hbm>> -> memref<50304x768xf32, #tpu.memory_space<hbm>>
    tpu.wait_indirect_dma semaphore(%arg25 : memref<!tpu.dma_semaphore, #tpu.memory_space<semaphore_mem>>) src(%dma_wait3A_131 : memref<50304x768xf32, #tpu.memory_space<hbm>>) dst(%arg23 : memref<64x768xf32, #tpu.memory_space<vmem>>)
    %add3A_132 = arith.constant 64 : i32
    %add3A_133 = arith.addi %mul3A_2, %add3A_132 : i32
    %dma_start3A_134 = arith.constant 0 : i32
    %dma_start3A_135 = tpu.memref_slice %arg10[%add3A_133, %dma_start3A_134] : memref<4096x768xf32, #tpu.memory_space<hbm>> -> memref<64x768xf32, #tpu.memory_space<hbm>>
    %dma_start3A_136 = arith.constant 0 : i32
    %dma_start3A_137 = tpu.memref_slice %arg10[%add3A_133, %dma_start3A_136] : memref<4096x768xf32, #tpu.memory_space<hbm>> -> memref<64x768xf32, #tpu.memory_space<hbm>>
    tpu.enqueue_dma source(%arg23 : memref<64x768xf32, #tpu.memory_space<vmem>>) target(%dma_start3A_137 : memref<64x768xf32, #tpu.memory_space<hbm>>) target_semaphore(%arg27 : memref<!tpu.dma_semaphore, #tpu.memory_space<semaphore_mem>>)
    %dma_start3A_138 = arith.constant 0 : i32
    %dma_start3A_139 = tpu.memref_slice %arg16[%add3A_133, %dma_start3A_138] : memref<4096x768xf32, #tpu.memory_space<hbm>> -> memref<64x768xf32, #tpu.memory_space<hbm>>
    %dma_start3A_140 = arith.constant 0 : i32
    %dma_start3A_141 = tpu.memref_slice %arg16[%add3A_133, %dma_start3A_140] : memref<4096x768xf32, #tpu.memory_space<hbm>> -> memref<64x768xf32, #tpu.memory_space<hbm>>
    tpu.enqueue_dma source(%arg23 : memref<64x768xf32, #tpu.memory_space<vmem>>) target(%dma_start3A_141 : memref<64x768xf32, #tpu.memory_space<hbm>>) target_semaphore(%arg27 : memref<!tpu.dma_semaphore, #tpu.memory_space<semaphore_mem>>)
    %dma_wait3A_142 = arith.constant 0 : i32
    %dma_wait3A_143 = tpu.memref_slice %arg10[%add3A_133, %dma_wait3A_142] : memref<4096x768xf32, #tpu.memory_space<hbm>> -> memref<64x768xf32, #tpu.memory_space<hbm>>
    %dma_wait3A_144 = arith.constant 0 : i32
    %dma_wait3A_145 = tpu.memref_slice %arg10[%add3A_133, %dma_wait3A_144] : memref<4096x768xf32, #tpu.memory_space<hbm>> -> memref<64x768xf32, #tpu.memory_space<hbm>>
    tpu.wait_dma2 semaphore(%arg27 : memref<!tpu.dma_semaphore, #tpu.memory_space<semaphore_mem>>) src(%arg23 : memref<64x768xf32, #tpu.memory_space<vmem>>) dst(%dma_wait3A_145 : memref<64x768xf32, #tpu.memory_space<hbm>>)
    %dma_wait3A_146 = arith.constant 0 : i32
    %dma_wait3A_147 = tpu.memref_slice %arg16[%add3A_133, %dma_wait3A_146] : memref<4096x768xf32, #tpu.memory_space<hbm>> -> memref<64x768xf32, #tpu.memory_space<hbm>>
    %dma_wait3A_148 = arith.constant 0 : i32
    %dma_wait3A_149 = tpu.memref_slice %arg16[%add3A_133, %dma_wait3A_148] : memref<4096x768xf32, #tpu.memory_space<hbm>> -> memref<64x768xf32, #tpu.memory_space<hbm>>
    tpu.wait_dma2 semaphore(%arg27 : memref<!tpu.dma_semaphore, #tpu.memory_space<semaphore_mem>>) src(%arg23 : memref<64x768xf32, #tpu.memory_space<vmem>>) dst(%dma_wait3A_149 : memref<64x768xf32, #tpu.memory_space<hbm>>)
    %dma_start3A_150 = arith.constant 64 : i32
    %dma_start3A_151 = tpu.memref_slice %arg21[%dma_start3A_150] : memref<128xi32, #tpu.memory_space<vmem>> -> memref<64xi32, #tpu.memory_space<vmem>>
    %dma_start3A_152 = arith.constant 0 : i32
    %dma_start3A_153 = arith.constant 0 : i32
    %dma_start3A_154 = tpu.memref_slice %arg5[%dma_start3A_152, %dma_start3A_153] : memref<50304x768xf32, #tpu.memory_space<hbm>> -> memref<50304x768xf32, #tpu.memory_space<hbm>>
    tpu.enqueue_indirect_dma source(%dma_start3A_154 : memref<50304x768xf32, #tpu.memory_space<hbm>>) target(%arg23 : memref<64x768xf32, #tpu.memory_space<vmem>>) offsets(%dma_start3A_151 : memref<64xi32, #tpu.memory_space<vmem>>) semaphore(%arg25 : memref<!tpu.dma_semaphore, #tpu.memory_space<semaphore_mem>>)
    %dma_wait3A_155 = arith.constant 0 : i32
    %dma_wait3A_156 = tpu.memref_slice %arg21[%dma_wait3A_155] : memref<128xi32, #tpu.memory_space<vmem>> -> memref<64xi32, #tpu.memory_space<vmem>>
    %dma_wait3A_157 = arith.constant 0 : i32
    %dma_wait3A_158 = arith.constant 0 : i32
    %dma_wait3A_159 = tpu.memref_slice %arg5[%dma_wait3A_157, %dma_wait3A_158] : memref<50304x768xf32, #tpu.memory_space<hbm>> -> memref<50304x768xf32, #tpu.memory_space<hbm>>
    tpu.wait_indirect_dma semaphore(%arg24 : memref<!tpu.dma_semaphore, #tpu.memory_space<semaphore_mem>>) src(%dma_wait3A_159 : memref<50304x768xf32, #tpu.memory_space<hbm>>) dst(%arg22 : memref<64x768xf32, #tpu.memory_space<vmem>>)
    %add3A_160 = arith.constant 0 : i32
    %add3A_161 = arith.addi %mul3A_2, %add3A_160 : i32
    %dma_start3A_162 = arith.constant 0 : i32
    %dma_start3A_163 = tpu.memref_slice %arg11[%add3A_161, %dma_start3A_162] : memref<4096x768xf32, #tpu.memory_space<hbm>> -> memref<64x768xf32, #tpu.memory_space<hbm>>
    %dma_start3A_164 = arith.constant 0 : i32
    %dma_start3A_165 = tpu.memref_slice %arg11[%add3A_161, %dma_start3A_164] : memref<4096x768xf32, #tpu.memory_space<hbm>> -> memref<64x768xf32, #tpu.memory_space<hbm>>
    tpu.enqueue_dma source(%arg22 : memref<64x768xf32, #tpu.memory_space<vmem>>) target(%dma_start3A_165 : memref<64x768xf32, #tpu.memory_space<hbm>>) target_semaphore(%arg26 : memref<!tpu.dma_semaphore, #tpu.memory_space<semaphore_mem>>)
    %dma_start3A_166 = arith.constant 0 : i32
    %dma_start3A_167 = tpu.memref_slice %arg17[%add3A_161, %dma_start3A_166] : memref<4096x768xf32, #tpu.memory_space<hbm>> -> memref<64x768xf32, #tpu.memory_space<hbm>>
    %dma_start3A_168 = arith.constant 0 : i32
    %dma_start3A_169 = tpu.memref_slice %arg17[%add3A_161, %dma_start3A_168] : memref<4096x768xf32, #tpu.memory_space<hbm>> -> memref<64x768xf32, #tpu.memory_space<hbm>>
    tpu.enqueue_dma source(%arg22 : memref<64x768xf32, #tpu.memory_space<vmem>>) target(%dma_start3A_169 : memref<64x768xf32, #tpu.memory_space<hbm>>) target_semaphore(%arg26 : memref<!tpu.dma_semaphore, #tpu.memory_space<semaphore_mem>>)
    %dma_wait3A_170 = arith.constant 0 : i32
    %dma_wait3A_171 = tpu.memref_slice %arg11[%add3A_161, %dma_wait3A_170] : memref<4096x768xf32, #tpu.memory_space<hbm>> -> memref<64x768xf32, #tpu.memory_space<hbm>>
    %dma_wait3A_172 = arith.constant 0 : i32
    %dma_wait3A_173 = tpu.memref_slice %arg11[%add3A_161, %dma_wait3A_172] : memref<4096x768xf32, #tpu.memory_space<hbm>> -> memref<64x768xf32, #tpu.memory_space<hbm>>
    tpu.wait_dma2 semaphore(%arg26 : memref<!tpu.dma_semaphore, #tpu.memory_space<semaphore_mem>>) src(%arg22 : memref<64x768xf32, #tpu.memory_space<vmem>>) dst(%dma_wait3A_173 : memref<64x768xf32, #tpu.memory_space<hbm>>)
    %dma_wait3A_174 = arith.constant 0 : i32
    %dma_wait3A_175 = tpu.memref_slice %arg17[%add3A_161, %dma_wait3A_174] : memref<4096x768xf32, #tpu.memory_space<hbm>> -> memref<64x768xf32, #tpu.memory_space<hbm>>
    %dma_wait3A_176 = arith.constant 0 : i32
    %dma_wait3A_177 = tpu.memref_slice %arg17[%add3A_161, %dma_wait3A_176] : memref<4096x768xf32, #tpu.memory_space<hbm>> -> memref<64x768xf32, #tpu.memory_space<hbm>>
    tpu.wait_dma2 semaphore(%arg26 : memref<!tpu.dma_semaphore, #tpu.memory_space<semaphore_mem>>) src(%arg22 : memref<64x768xf32, #tpu.memory_space<vmem>>) dst(%dma_wait3A_177 : memref<64x768xf32, #tpu.memory_space<hbm>>)
    %dma_start3A_178 = arith.constant 0 : i32
    %dma_start3A_179 = tpu.memref_slice %arg21[%dma_start3A_178] : memref<128xi32, #tpu.memory_space<vmem>> -> memref<64xi32, #tpu.memory_space<vmem>>
    %dma_start3A_180 = arith.constant 0 : i32
    %dma_start3A_181 = arith.constant 0 : i32
    %dma_start3A_182 = tpu.memref_slice %arg6[%dma_start3A_180, %dma_start3A_181] : memref<50304x768xf32, #tpu.memory_space<hbm>> -> memref<50304x768xf32, #tpu.memory_space<hbm>>
    tpu.enqueue_indirect_dma source(%dma_start3A_182 : memref<50304x768xf32, #tpu.memory_space<hbm>>) target(%arg22 : memref<64x768xf32, #tpu.memory_space<vmem>>) offsets(%dma_start3A_179 : memref<64xi32, #tpu.memory_space<vmem>>) semaphore(%arg24 : memref<!tpu.dma_semaphore, #tpu.memory_space<semaphore_mem>>)
    %dma_wait3A_183 = arith.constant 64 : i32
    %dma_wait3A_184 = tpu.memref_slice %arg21[%dma_wait3A_183] : memref<128xi32, #tpu.memory_space<vmem>> -> memref<64xi32, #tpu.memory_space<vmem>>
    %dma_wait3A_185 = arith.constant 0 : i32
    %dma_wait3A_186 = arith.constant 0 : i32
    %dma_wait3A_187 = tpu.memref_slice %arg5[%dma_wait3A_185, %dma_wait3A_186] : memref<50304x768xf32, #tpu.memory_space<hbm>> -> memref<50304x768xf32, #tpu.memory_space<hbm>>
    tpu.wait_indirect_dma semaphore(%arg25 : memref<!tpu.dma_semaphore, #tpu.memory_space<semaphore_mem>>) src(%dma_wait3A_187 : memref<50304x768xf32, #tpu.memory_space<hbm>>) dst(%arg23 : memref<64x768xf32, #tpu.memory_space<vmem>>)
    %add3A_188 = arith.constant 64 : i32
    %add3A_189 = arith.addi %mul3A_2, %add3A_188 : i32
    %dma_start3A_190 = arith.constant 0 : i32
    %dma_start3A_191 = tpu.memref_slice %arg11[%add3A_189, %dma_start3A_190] : memref<4096x768xf32, #tpu.memory_space<hbm>> -> memref<64x768xf32, #tpu.memory_space<hbm>>
    %dma_start3A_192 = arith.constant 0 : i32
    %dma_start3A_193 = tpu.memref_slice %arg11[%add3A_189, %dma_start3A_192] : memref<4096x768xf32, #tpu.memory_space<hbm>> -> memref<64x768xf32, #tpu.memory_space<hbm>>
    tpu.enqueue_dma source(%arg23 : memref<64x768xf32, #tpu.memory_space<vmem>>) target(%dma_start3A_193 : memref<64x768xf32, #tpu.memory_space<hbm>>) target_semaphore(%arg27 : memref<!tpu.dma_semaphore, #tpu.memory_space<semaphore_mem>>)
    %dma_start3A_194 = arith.constant 0 : i32
    %dma_start3A_195 = tpu.memref_slice %arg17[%add3A_189, %dma_start3A_194] : memref<4096x768xf32, #tpu.memory_space<hbm>> -> memref<64x768xf32, #tpu.memory_space<hbm>>
    %dma_start3A_196 = arith.constant 0 : i32
    %dma_start3A_197 = tpu.memref_slice %arg17[%add3A_189, %dma_start3A_196] : memref<4096x768xf32, #tpu.memory_space<hbm>> -> memref<64x768xf32, #tpu.memory_space<hbm>>
    tpu.enqueue_dma source(%arg23 : memref<64x768xf32, #tpu.memory_space<vmem>>) target(%dma_start3A_197 : memref<64x768xf32, #tpu.memory_space<hbm>>) target_semaphore(%arg27 : memref<!tpu.dma_semaphore, #tpu.memory_space<semaphore_mem>>)
    %dma_wait3A_198 = arith.constant 0 : i32
    %dma_wait3A_199 = tpu.memref_slice %arg11[%add3A_189, %dma_wait3A_198] : memref<4096x768xf32, #tpu.memory_space<hbm>> -> memref<64x768xf32, #tpu.memory_space<hbm>>
    %dma_wait3A_200 = arith.constant 0 : i32
    %dma_wait3A_201 = tpu.memref_slice %arg11[%add3A_189, %dma_wait3A_200] : memref<4096x768xf32, #tpu.memory_space<hbm>> -> memref<64x768xf32, #tpu.memory_space<hbm>>
    tpu.wait_dma2 semaphore(%arg27 : memref<!tpu.dma_semaphore, #tpu.memory_space<semaphore_mem>>) src(%arg23 : memref<64x768xf32, #tpu.memory_space<vmem>>) dst(%dma_wait3A_201 : memref<64x768xf32, #tpu.memory_space<hbm>>)
    %dma_wait3A_202 = arith.constant 0 : i32
    %dma_wait3A_203 = tpu.memref_slice %arg17[%add3A_189, %dma_wait3A_202] : memref<4096x768xf32, #tpu.memory_space<hbm>> -> memref<64x768xf32, #tpu.memory_space<hbm>>
    %dma_wait3A_204 = arith.constant 0 : i32
    %dma_wait3A_205 = tpu.memref_slice %arg17[%add3A_189, %dma_wait3A_204] : memref<4096x768xf32, #tpu.memory_space<hbm>> -> memref<64x768xf32, #tpu.memory_space<hbm>>
    tpu.wait_dma2 semaphore(%arg27 : memref<!tpu.dma_semaphore, #tpu.memory_space<semaphore_mem>>) src(%arg23 : memref<64x768xf32, #tpu.memory_space<vmem>>) dst(%dma_wait3A_205 : memref<64x768xf32, #tpu.memory_space<hbm>>)
    %dma_start3A_206 = arith.constant 64 : i32
    %dma_start3A_207 = tpu.memref_slice %arg21[%dma_start3A_206] : memref<128xi32, #tpu.memory_space<vmem>> -> memref<64xi32, #tpu.memory_space<vmem>>
    %dma_start3A_208 = arith.constant 0 : i32
    %dma_start3A_209 = arith.constant 0 : i32
    %dma_start3A_210 = tpu.memref_slice %arg6[%dma_start3A_208, %dma_start3A_209] : memref<50304x768xf32, #tpu.memory_space<hbm>> -> memref<50304x768xf32, #tpu.memory_space<hbm>>
    tpu.enqueue_indirect_dma source(%dma_start3A_210 : memref<50304x768xf32, #tpu.memory_space<hbm>>) target(%arg23 : memref<64x768xf32, #tpu.memory_space<vmem>>) offsets(%dma_start3A_207 : memref<64xi32, #tpu.memory_space<vmem>>) semaphore(%arg25 : memref<!tpu.dma_semaphore, #tpu.memory_space<semaphore_mem>>)
    %dma_wait3A_211 = arith.constant 0 : i32
    %dma_wait3A_212 = tpu.memref_slice %arg21[%dma_wait3A_211] : memref<128xi32, #tpu.memory_space<vmem>> -> memref<64xi32, #tpu.memory_space<vmem>>
    %dma_wait3A_213 = arith.constant 0 : i32
    %dma_wait3A_214 = arith.constant 0 : i32
    %dma_wait3A_215 = tpu.memref_slice %arg6[%dma_wait3A_213, %dma_wait3A_214] : memref<50304x768xf32, #tpu.memory_space<hbm>> -> memref<50304x768xf32, #tpu.memory_space<hbm>>
    tpu.wait_indirect_dma semaphore(%arg24 : memref<!tpu.dma_semaphore, #tpu.memory_space<semaphore_mem>>) src(%dma_wait3A_215 : memref<50304x768xf32, #tpu.memory_space<hbm>>) dst(%arg22 : memref<64x768xf32, #tpu.memory_space<vmem>>)
    %add3A_216 = arith.constant 0 : i32
    %add3A_217 = arith.addi %mul3A_2, %add3A_216 : i32
    %dma_start3A_218 = arith.constant 0 : i32
    %dma_start3A_219 = tpu.memref_slice %arg12[%add3A_217, %dma_start3A_218] : memref<4096x768xf32, #tpu.memory_space<hbm>> -> memref<64x768xf32, #tpu.memory_space<hbm>>
    %dma_start3A_220 = arith.constant 0 : i32
    %dma_start3A_221 = tpu.memref_slice %arg12[%add3A_217, %dma_start3A_220] : memref<4096x768xf32, #tpu.memory_space<hbm>> -> memref<64x768xf32, #tpu.memory_space<hbm>>
    tpu.enqueue_dma source(%arg22 : memref<64x768xf32, #tpu.memory_space<vmem>>) target(%dma_start3A_221 : memref<64x768xf32, #tpu.memory_space<hbm>>) target_semaphore(%arg26 : memref<!tpu.dma_semaphore, #tpu.memory_space<semaphore_mem>>)
    %dma_start3A_222 = arith.constant 0 : i32
    %dma_start3A_223 = tpu.memref_slice %arg18[%add3A_217, %dma_start3A_222] : memref<4096x768xf32, #tpu.memory_space<hbm>> -> memref<64x768xf32, #tpu.memory_space<hbm>>
    %dma_start3A_224 = arith.constant 0 : i32
    %dma_start3A_225 = tpu.memref_slice %arg18[%add3A_217, %dma_start3A_224] : memref<4096x768xf32, #tpu.memory_space<hbm>> -> memref<64x768xf32, #tpu.memory_space<hbm>>
    tpu.enqueue_dma source(%arg22 : memref<64x768xf32, #tpu.memory_space<vmem>>) target(%dma_start3A_225 : memref<64x768xf32, #tpu.memory_space<hbm>>) target_semaphore(%arg26 : memref<!tpu.dma_semaphore, #tpu.memory_space<semaphore_mem>>)
    %dma_wait3A_226 = arith.constant 0 : i32
    %dma_wait3A_227 = tpu.memref_slice %arg12[%add3A_217, %dma_wait3A_226] : memref<4096x768xf32, #tpu.memory_space<hbm>> -> memref<64x768xf32, #tpu.memory_space<hbm>>
    %dma_wait3A_228 = arith.constant 0 : i32
    %dma_wait3A_229 = tpu.memref_slice %arg12[%add3A_217, %dma_wait3A_228] : memref<4096x768xf32, #tpu.memory_space<hbm>> -> memref<64x768xf32, #tpu.memory_space<hbm>>
    tpu.wait_dma2 semaphore(%arg26 : memref<!tpu.dma_semaphore, #tpu.memory_space<semaphore_mem>>) src(%arg22 : memref<64x768xf32, #tpu.memory_space<vmem>>) dst(%dma_wait3A_229 : memref<64x768xf32, #tpu.memory_space<hbm>>)
    %dma_wait3A_230 = arith.constant 0 : i32
    %dma_wait3A_231 = tpu.memref_slice %arg18[%add3A_217, %dma_wait3A_230] : memref<4096x768xf32, #tpu.memory_space<hbm>> -> memref<64x768xf32, #tpu.memory_space<hbm>>
    %dma_wait3A_232 = arith.constant 0 : i32
    %dma_wait3A_233 = tpu.memref_slice %arg18[%add3A_217, %dma_wait3A_232] : memref<4096x768xf32, #tpu.memory_space<hbm>> -> memref<64x768xf32, #tpu.memory_space<hbm>>
    tpu.wait_dma2 semaphore(%arg26 : memref<!tpu.dma_semaphore, #tpu.memory_space<semaphore_mem>>) src(%arg22 : memref<64x768xf32, #tpu.memory_space<vmem>>) dst(%dma_wait3A_233 : memref<64x768xf32, #tpu.memory_space<hbm>>)
    %dma_start3A_234 = arith.constant 0 : i32
    %dma_start3A_235 = tpu.memref_slice %arg21[%dma_start3A_234] : memref<128xi32, #tpu.memory_space<vmem>> -> memref<64xi32, #tpu.memory_space<vmem>>
    %dma_start3A_236 = arith.constant 0 : i32
    %dma_start3A_237 = arith.constant 0 : i32
    %dma_start3A_238 = tpu.memref_slice %arg7[%dma_start3A_236, %dma_start3A_237] : memref<50304x768xf32, #tpu.memory_space<hbm>> -> memref<50304x768xf32, #tpu.memory_space<hbm>>
    tpu.enqueue_indirect_dma source(%dma_start3A_238 : memref<50304x768xf32, #tpu.memory_space<hbm>>) target(%arg22 : memref<64x768xf32, #tpu.memory_space<vmem>>) offsets(%dma_start3A_235 : memref<64xi32, #tpu.memory_space<vmem>>) semaphore(%arg24 : memref<!tpu.dma_semaphore, #tpu.memory_space<semaphore_mem>>)
    %dma_wait3A_239 = arith.constant 64 : i32
    %dma_wait3A_240 = tpu.memref_slice %arg21[%dma_wait3A_239] : memref<128xi32, #tpu.memory_space<vmem>> -> memref<64xi32, #tpu.memory_space<vmem>>
    %dma_wait3A_241 = arith.constant 0 : i32
    %dma_wait3A_242 = arith.constant 0 : i32
    %dma_wait3A_243 = tpu.memref_slice %arg6[%dma_wait3A_241, %dma_wait3A_242] : memref<50304x768xf32, #tpu.memory_space<hbm>> -> memref<50304x768xf32, #tpu.memory_space<hbm>>
    tpu.wait_indirect_dma semaphore(%arg25 : memref<!tpu.dma_semaphore, #tpu.memory_space<semaphore_mem>>) src(%dma_wait3A_243 : memref<50304x768xf32, #tpu.memory_space<hbm>>) dst(%arg23 : memref<64x768xf32, #tpu.memory_space<vmem>>)
    %add3A_244 = arith.constant 64 : i32
    %add3A_245 = arith.addi %mul3A_2, %add3A_244 : i32
    %dma_start3A_246 = arith.constant 0 : i32
    %dma_start3A_247 = tpu.memref_slice %arg12[%add3A_245, %dma_start3A_246] : memref<4096x768xf32, #tpu.memory_space<hbm>> -> memref<64x768xf32, #tpu.memory_space<hbm>>
    %dma_start3A_248 = arith.constant 0 : i32
    %dma_start3A_249 = tpu.memref_slice %arg12[%add3A_245, %dma_start3A_248] : memref<4096x768xf32, #tpu.memory_space<hbm>> -> memref<64x768xf32, #tpu.memory_space<hbm>>
    tpu.enqueue_dma source(%arg23 : memref<64x768xf32, #tpu.memory_space<vmem>>) target(%dma_start3A_249 : memref<64x768xf32, #tpu.memory_space<hbm>>) target_semaphore(%arg27 : memref<!tpu.dma_semaphore, #tpu.memory_space<semaphore_mem>>)
    %dma_start3A_250 = arith.constant 0 : i32
    %dma_start3A_251 = tpu.memref_slice %arg18[%add3A_245, %dma_start3A_250] : memref<4096x768xf32, #tpu.memory_space<hbm>> -> memref<64x768xf32, #tpu.memory_space<hbm>>
    %dma_start3A_252 = arith.constant 0 : i32
    %dma_start3A_253 = tpu.memref_slice %arg18[%add3A_245, %dma_start3A_252] : memref<4096x768xf32, #tpu.memory_space<hbm>> -> memref<64x768xf32, #tpu.memory_space<hbm>>
    tpu.enqueue_dma source(%arg23 : memref<64x768xf32, #tpu.memory_space<vmem>>) target(%dma_start3A_253 : memref<64x768xf32, #tpu.memory_space<hbm>>) target_semaphore(%arg27 : memref<!tpu.dma_semaphore, #tpu.memory_space<semaphore_mem>>)
    %dma_wait3A_254 = arith.constant 0 : i32
    %dma_wait3A_255 = tpu.memref_slice %arg12[%add3A_245, %dma_wait3A_254] : memref<4096x768xf32, #tpu.memory_space<hbm>> -> memref<64x768xf32, #tpu.memory_space<hbm>>
    %dma_wait3A_256 = arith.constant 0 : i32
    %dma_wait3A_257 = tpu.memref_slice %arg12[%add3A_245, %dma_wait3A_256] : memref<4096x768xf32, #tpu.memory_space<hbm>> -> memref<64x768xf32, #tpu.memory_space<hbm>>
    tpu.wait_dma2 semaphore(%arg27 : memref<!tpu.dma_semaphore, #tpu.memory_space<semaphore_mem>>) src(%arg23 : memref<64x768xf32, #tpu.memory_space<vmem>>) dst(%dma_wait3A_257 : memref<64x768xf32, #tpu.memory_space<hbm>>)
    %dma_wait3A_258 = arith.constant 0 : i32
    %dma_wait3A_259 = tpu.memref_slice %arg18[%add3A_245, %dma_wait3A_258] : memref<4096x768xf32, #tpu.memory_space<hbm>> -> memref<64x768xf32, #tpu.memory_space<hbm>>
    %dma_wait3A_260 = arith.constant 0 : i32
    %dma_wait3A_261 = tpu.memref_slice %arg18[%add3A_245, %dma_wait3A_260] : memref<4096x768xf32, #tpu.memory_space<hbm>> -> memref<64x768xf32, #tpu.memory_space<hbm>>
    tpu.wait_dma2 semaphore(%arg27 : memref<!tpu.dma_semaphore, #tpu.memory_space<semaphore_mem>>) src(%arg23 : memref<64x768xf32, #tpu.memory_space<vmem>>) dst(%dma_wait3A_261 : memref<64x768xf32, #tpu.memory_space<hbm>>)
    %dma_start3A_262 = arith.constant 64 : i32
    %dma_start3A_263 = tpu.memref_slice %arg21[%dma_start3A_262] : memref<128xi32, #tpu.memory_space<vmem>> -> memref<64xi32, #tpu.memory_space<vmem>>
    %dma_start3A_264 = arith.constant 0 : i32
    %dma_start3A_265 = arith.constant 0 : i32
    %dma_start3A_266 = tpu.memref_slice %arg7[%dma_start3A_264, %dma_start3A_265] : memref<50304x768xf32, #tpu.memory_space<hbm>> -> memref<50304x768xf32, #tpu.memory_space<hbm>>
    tpu.enqueue_indirect_dma source(%dma_start3A_266 : memref<50304x768xf32, #tpu.memory_space<hbm>>) target(%arg23 : memref<64x768xf32, #tpu.memory_space<vmem>>) offsets(%dma_start3A_263 : memref<64xi32, #tpu.memory_space<vmem>>) semaphore(%arg25 : memref<!tpu.dma_semaphore, #tpu.memory_space<semaphore_mem>>)
    %dma_wait3A_267 = arith.constant 0 : i32
    %dma_wait3A_268 = tpu.memref_slice %arg21[%dma_wait3A_267] : memref<128xi32, #tpu.memory_space<vmem>> -> memref<64xi32, #tpu.memory_space<vmem>>
    %dma_wait3A_269 = arith.constant 0 : i32
    %dma_wait3A_270 = arith.constant 0 : i32
    %dma_wait3A_271 = tpu.memref_slice %arg7[%dma_wait3A_269, %dma_wait3A_270] : memref<50304x768xf32, #tpu.memory_space<hbm>> -> memref<50304x768xf32, #tpu.memory_space<hbm>>
    tpu.wait_indirect_dma semaphore(%arg24 : memref<!tpu.dma_semaphore, #tpu.memory_space<semaphore_mem>>) src(%dma_wait3A_271 : memref<50304x768xf32, #tpu.memory_space<hbm>>) dst(%arg22 : memref<64x768xf32, #tpu.memory_space<vmem>>)
    %add3A_272 = arith.constant 0 : i32
    %add3A_273 = arith.addi %mul3A_2, %add3A_272 : i32
    %dma_start3A_274 = arith.constant 0 : i32
    %dma_start3A_275 = tpu.memref_slice %arg13[%add3A_273, %dma_start3A_274] : memref<4096x768xf32, #tpu.memory_space<hbm>> -> memref<64x768xf32, #tpu.memory_space<hbm>>
    %dma_start3A_276 = arith.constant 0 : i32
    %dma_start3A_277 = tpu.memref_slice %arg13[%add3A_273, %dma_start3A_276] : memref<4096x768xf32, #tpu.memory_space<hbm>> -> memref<64x768xf32, #tpu.memory_space<hbm>>
    tpu.enqueue_dma source(%arg22 : memref<64x768xf32, #tpu.memory_space<vmem>>) target(%dma_start3A_277 : memref<64x768xf32, #tpu.memory_space<hbm>>) target_semaphore(%arg26 : memref<!tpu.dma_semaphore, #tpu.memory_space<semaphore_mem>>)
    %dma_start3A_278 = arith.constant 0 : i32
    %dma_start3A_279 = tpu.memref_slice %arg19[%add3A_273, %dma_start3A_278] : memref<4096x768xf32, #tpu.memory_space<hbm>> -> memref<64x768xf32, #tpu.memory_space<hbm>>
    %dma_start3A_280 = arith.constant 0 : i32
    %dma_start3A_281 = tpu.memref_slice %arg19[%add3A_273, %dma_start3A_280] : memref<4096x768xf32, #tpu.memory_space<hbm>> -> memref<64x768xf32, #tpu.memory_space<hbm>>
    tpu.enqueue_dma source(%arg22 : memref<64x768xf32, #tpu.memory_space<vmem>>) target(%dma_start3A_281 : memref<64x768xf32, #tpu.memory_space<hbm>>) target_semaphore(%arg26 : memref<!tpu.dma_semaphore, #tpu.memory_space<semaphore_mem>>)
    %dma_wait3A_282 = arith.constant 0 : i32
    %dma_wait3A_283 = tpu.memref_slice %arg13[%add3A_273, %dma_wait3A_282] : memref<4096x768xf32, #tpu.memory_space<hbm>> -> memref<64x768xf32, #tpu.memory_space<hbm>>
    %dma_wait3A_284 = arith.constant 0 : i32
    %dma_wait3A_285 = tpu.memref_slice %arg13[%add3A_273, %dma_wait3A_284] : memref<4096x768xf32, #tpu.memory_space<hbm>> -> memref<64x768xf32, #tpu.memory_space<hbm>>
    tpu.wait_dma2 semaphore(%arg26 : memref<!tpu.dma_semaphore, #tpu.memory_space<semaphore_mem>>) src(%arg22 : memref<64x768xf32, #tpu.memory_space<vmem>>) dst(%dma_wait3A_285 : memref<64x768xf32, #tpu.memory_space<hbm>>)
    %dma_wait3A_286 = arith.constant 0 : i32
    %dma_wait3A_287 = tpu.memref_slice %arg19[%add3A_273, %dma_wait3A_286] : memref<4096x768xf32, #tpu.memory_space<hbm>> -> memref<64x768xf32, #tpu.memory_space<hbm>>
    %dma_wait3A_288 = arith.constant 0 : i32
    %dma_wait3A_289 = tpu.memref_slice %arg19[%add3A_273, %dma_wait3A_288] : memref<4096x768xf32, #tpu.memory_space<hbm>> -> memref<64x768xf32, #tpu.memory_space<hbm>>
    tpu.wait_dma2 semaphore(%arg26 : memref<!tpu.dma_semaphore, #tpu.memory_space<semaphore_mem>>) src(%arg22 : memref<64x768xf32, #tpu.memory_space<vmem>>) dst(%dma_wait3A_289 : memref<64x768xf32, #tpu.memory_space<hbm>>)
    %dma_start3A_290 = arith.constant 0 : i32
    %dma_start3A_291 = tpu.memref_slice %arg21[%dma_start3A_290] : memref<128xi32, #tpu.memory_space<vmem>> -> memref<64xi32, #tpu.memory_space<vmem>>
    %dma_start3A_292 = arith.constant 0 : i32
    %dma_start3A_293 = arith.constant 0 : i32
    %dma_start3A_294 = tpu.memref_slice %arg8[%dma_start3A_292, %dma_start3A_293] : memref<50304x768xf32, #tpu.memory_space<hbm>> -> memref<50304x768xf32, #tpu.memory_space<hbm>>
    tpu.enqueue_indirect_dma source(%dma_start3A_294 : memref<50304x768xf32, #tpu.memory_space<hbm>>) target(%arg22 : memref<64x768xf32, #tpu.memory_space<vmem>>) offsets(%dma_start3A_291 : memref<64xi32, #tpu.memory_space<vmem>>) semaphore(%arg24 : memref<!tpu.dma_semaphore, #tpu.memory_space<semaphore_mem>>)
    %dma_wait3A_295 = arith.constant 64 : i32
    %dma_wait3A_296 = tpu.memref_slice %arg21[%dma_wait3A_295] : memref<128xi32, #tpu.memory_space<vmem>> -> memref<64xi32, #tpu.memory_space<vmem>>
    %dma_wait3A_297 = arith.constant 0 : i32
    %dma_wait3A_298 = arith.constant 0 : i32
    %dma_wait3A_299 = tpu.memref_slice %arg7[%dma_wait3A_297, %dma_wait3A_298] : memref<50304x768xf32, #tpu.memory_space<hbm>> -> memref<50304x768xf32, #tpu.memory_space<hbm>>
    tpu.wait_indirect_dma semaphore(%arg25 : memref<!tpu.dma_semaphore, #tpu.memory_space<semaphore_mem>>) src(%dma_wait3A_299 : memref<50304x768xf32, #tpu.memory_space<hbm>>) dst(%arg23 : memref<64x768xf32, #tpu.memory_space<vmem>>)
    %add3A_300 = arith.constant 64 : i32
    %add3A_301 = arith.addi %mul3A_2, %add3A_300 : i32
    %dma_start3A_302 = arith.constant 0 : i32
    %dma_start3A_303 = tpu.memref_slice %arg13[%add3A_301, %dma_start3A_302] : memref<4096x768xf32, #tpu.memory_space<hbm>> -> memref<64x768xf32, #tpu.memory_space<hbm>>
    %dma_start3A_304 = arith.constant 0 : i32
    %dma_start3A_305 = tpu.memref_slice %arg13[%add3A_301, %dma_start3A_304] : memref<4096x768xf32, #tpu.memory_space<hbm>> -> memref<64x768xf32, #tpu.memory_space<hbm>>
    tpu.enqueue_dma source(%arg23 : memref<64x768xf32, #tpu.memory_space<vmem>>) target(%dma_start3A_305 : memref<64x768xf32, #tpu.memory_space<hbm>>) target_semaphore(%arg27 : memref<!tpu.dma_semaphore, #tpu.memory_space<semaphore_mem>>)
    %dma_start3A_306 = arith.constant 0 : i32
    %dma_start3A_307 = tpu.memref_slice %arg19[%add3A_301, %dma_start3A_306] : memref<4096x768xf32, #tpu.memory_space<hbm>> -> memref<64x768xf32, #tpu.memory_space<hbm>>
    %dma_start3A_308 = arith.constant 0 : i32
    %dma_start3A_309 = tpu.memref_slice %arg19[%add3A_301, %dma_start3A_308] : memref<4096x768xf32, #tpu.memory_space<hbm>> -> memref<64x768xf32, #tpu.memory_space<hbm>>
    tpu.enqueue_dma source(%arg23 : memref<64x768xf32, #tpu.memory_space<vmem>>) target(%dma_start3A_309 : memref<64x768xf32, #tpu.memory_space<hbm>>) target_semaphore(%arg27 : memref<!tpu.dma_semaphore, #tpu.memory_space<semaphore_mem>>)
    %dma_wait3A_310 = arith.constant 0 : i32
    %dma_wait3A_311 = tpu.memref_slice %arg13[%add3A_301, %dma_wait3A_310] : memref<4096x768xf32, #tpu.memory_space<hbm>> -> memref<64x768xf32, #tpu.memory_space<hbm>>
    %dma_wait3A_312 = arith.constant 0 : i32
    %dma_wait3A_313 = tpu.memref_slice %arg13[%add3A_301, %dma_wait3A_312] : memref<4096x768xf32, #tpu.memory_space<hbm>> -> memref<64x768xf32, #tpu.memory_space<hbm>>
    tpu.wait_dma2 semaphore(%arg27 : memref<!tpu.dma_semaphore, #tpu.memory_space<semaphore_mem>>) src(%arg23 : memref<64x768xf32, #tpu.memory_space<vmem>>) dst(%dma_wait3A_313 : memref<64x768xf32, #tpu.memory_space<hbm>>)
    %dma_wait3A_314 = arith.constant 0 : i32
    %dma_wait3A_315 = tpu.memref_slice %arg19[%add3A_301, %dma_wait3A_314] : memref<4096x768xf32, #tpu.memory_space<hbm>> -> memref<64x768xf32, #tpu.memory_space<hbm>>
    %dma_wait3A_316 = arith.constant 0 : i32
    %dma_wait3A_317 = tpu.memref_slice %arg19[%add3A_301, %dma_wait3A_316] : memref<4096x768xf32, #tpu.memory_space<hbm>> -> memref<64x768xf32, #tpu.memory_space<hbm>>
    tpu.wait_dma2 semaphore(%arg27 : memref<!tpu.dma_semaphore, #tpu.memory_space<semaphore_mem>>) src(%arg23 : memref<64x768xf32, #tpu.memory_space<vmem>>) dst(%dma_wait3A_317 : memref<64x768xf32, #tpu.memory_space<hbm>>)
    %dma_start3A_318 = arith.constant 64 : i32
    %dma_start3A_319 = tpu.memref_slice %arg21[%dma_start3A_318] : memref<128xi32, #tpu.memory_space<vmem>> -> memref<64xi32, #tpu.memory_space<vmem>>
    %dma_start3A_320 = arith.constant 0 : i32
    %dma_start3A_321 = arith.constant 0 : i32
    %dma_start3A_322 = tpu.memref_slice %arg8[%dma_start3A_320, %dma_start3A_321] : memref<50304x768xf32, #tpu.memory_space<hbm>> -> memref<50304x768xf32, #tpu.memory_space<hbm>>
    tpu.enqueue_indirect_dma source(%dma_start3A_322 : memref<50304x768xf32, #tpu.memory_space<hbm>>) target(%arg23 : memref<64x768xf32, #tpu.memory_space<vmem>>) offsets(%dma_start3A_319 : memref<64xi32, #tpu.memory_space<vmem>>) semaphore(%arg25 : memref<!tpu.dma_semaphore, #tpu.memory_space<semaphore_mem>>)
    %dma_wait3A_323 = arith.constant 0 : i32
    %dma_wait3A_324 = tpu.memref_slice %arg21[%dma_wait3A_323] : memref<128xi32, #tpu.memory_space<vmem>> -> memref<64xi32, #tpu.memory_space<vmem>>
    %dma_wait3A_325 = arith.constant 0 : i32
    %dma_wait3A_326 = arith.constant 0 : i32
    %dma_wait3A_327 = tpu.memref_slice %arg8[%dma_wait3A_325, %dma_wait3A_326] : memref<50304x768xf32, #tpu.memory_space<hbm>> -> memref<50304x768xf32, #tpu.memory_space<hbm>>
    tpu.wait_indirect_dma semaphore(%arg24 : memref<!tpu.dma_semaphore, #tpu.memory_space<semaphore_mem>>) src(%dma_wait3A_327 : memref<50304x768xf32, #tpu.memory_space<hbm>>) dst(%arg22 : memref<64x768xf32, #tpu.memory_space<vmem>>)
    %add3A_328 = arith.constant 0 : i32
    %add3A_329 = arith.addi %mul3A_2, %add3A_328 : i32
    %dma_start3A_330 = arith.constant 0 : i32
    %dma_start3A_331 = tpu.memref_slice %arg14[%add3A_329, %dma_start3A_330] : memref<4096x768xf32, #tpu.memory_space<hbm>> -> memref<64x768xf32, #tpu.memory_space<hbm>>
    %dma_start3A_332 = arith.constant 0 : i32
    %dma_start3A_333 = tpu.memref_slice %arg14[%add3A_329, %dma_start3A_332] : memref<4096x768xf32, #tpu.memory_space<hbm>> -> memref<64x768xf32, #tpu.memory_space<hbm>>
    tpu.enqueue_dma source(%arg22 : memref<64x768xf32, #tpu.memory_space<vmem>>) target(%dma_start3A_333 : memref<64x768xf32, #tpu.memory_space<hbm>>) target_semaphore(%arg26 : memref<!tpu.dma_semaphore, #tpu.memory_space<semaphore_mem>>)
    %dma_start3A_334 = arith.constant 0 : i32
    %dma_start3A_335 = tpu.memref_slice %arg20[%add3A_329, %dma_start3A_334] : memref<4096x768xf32, #tpu.memory_space<hbm>> -> memref<64x768xf32, #tpu.memory_space<hbm>>
    %dma_start3A_336 = arith.constant 0 : i32
    %dma_start3A_337 = tpu.memref_slice %arg20[%add3A_329, %dma_start3A_336] : memref<4096x768xf32, #tpu.memory_space<hbm>> -> memref<64x768xf32, #tpu.memory_space<hbm>>
    tpu.enqueue_dma source(%arg22 : memref<64x768xf32, #tpu.memory_space<vmem>>) target(%dma_start3A_337 : memref<64x768xf32, #tpu.memory_space<hbm>>) target_semaphore(%arg26 : memref<!tpu.dma_semaphore, #tpu.memory_space<semaphore_mem>>)
    %dma_wait3A_338 = arith.constant 64 : i32
    %dma_wait3A_339 = tpu.memref_slice %arg21[%dma_wait3A_338] : memref<128xi32, #tpu.memory_space<vmem>> -> memref<64xi32, #tpu.memory_space<vmem>>
    %dma_wait3A_340 = arith.constant 0 : i32
    %dma_wait3A_341 = arith.constant 0 : i32
    %dma_wait3A_342 = tpu.memref_slice %arg8[%dma_wait3A_340, %dma_wait3A_341] : memref<50304x768xf32, #tpu.memory_space<hbm>> -> memref<50304x768xf32, #tpu.memory_space<hbm>>
    tpu.wait_indirect_dma semaphore(%arg25 : memref<!tpu.dma_semaphore, #tpu.memory_space<semaphore_mem>>) src(%dma_wait3A_342 : memref<50304x768xf32, #tpu.memory_space<hbm>>) dst(%arg23 : memref<64x768xf32, #tpu.memory_space<vmem>>)
    %add3A_343 = arith.constant 64 : i32
    %add3A_344 = arith.addi %mul3A_2, %add3A_343 : i32
    %dma_start3A_345 = arith.constant 0 : i32
    %dma_start3A_346 = tpu.memref_slice %arg14[%add3A_344, %dma_start3A_345] : memref<4096x768xf32, #tpu.memory_space<hbm>> -> memref<64x768xf32, #tpu.memory_space<hbm>>
    %dma_start3A_347 = arith.constant 0 : i32
    %dma_start3A_348 = tpu.memref_slice %arg14[%add3A_344, %dma_start3A_347] : memref<4096x768xf32, #tpu.memory_space<hbm>> -> memref<64x768xf32, #tpu.memory_space<hbm>>
    tpu.enqueue_dma source(%arg23 : memref<64x768xf32, #tpu.memory_space<vmem>>) target(%dma_start3A_348 : memref<64x768xf32, #tpu.memory_space<hbm>>) target_semaphore(%arg27 : memref<!tpu.dma_semaphore, #tpu.memory_space<semaphore_mem>>)
    %dma_start3A_349 = arith.constant 0 : i32
    %dma_start3A_350 = tpu.memref_slice %arg20[%add3A_344, %dma_start3A_349] : memref<4096x768xf32, #tpu.memory_space<hbm>> -> memref<64x768xf32, #tpu.memory_space<hbm>>
    %dma_start3A_351 = arith.constant 0 : i32
    %dma_start3A_352 = tpu.memref_slice %arg20[%add3A_344, %dma_start3A_351] : memref<4096x768xf32, #tpu.memory_space<hbm>> -> memref<64x768xf32, #tpu.memory_space<hbm>>
    tpu.enqueue_dma source(%arg23 : memref<64x768xf32, #tpu.memory_space<vmem>>) target(%dma_start3A_352 : memref<64x768xf32, #tpu.memory_space<hbm>>) target_semaphore(%arg27 : memref<!tpu.dma_semaphore, #tpu.memory_space<semaphore_mem>>)
    %dma_wait3A_353 = arith.constant 0 : i32
    %dma_wait3A_354 = tpu.memref_slice %arg14[%add3A_329, %dma_wait3A_353] : memref<4096x768xf32, #tpu.memory_space<hbm>> -> memref<64x768xf32, #tpu.memory_space<hbm>>
    %dma_wait3A_355 = arith.constant 0 : i32
    %dma_wait3A_356 = tpu.memref_slice %arg14[%add3A_329, %dma_wait3A_355] : memref<4096x768xf32, #tpu.memory_space<hbm>> -> memref<64x768xf32, #tpu.memory_space<hbm>>
    tpu.wait_dma2 semaphore(%arg26 : memref<!tpu.dma_semaphore, #tpu.memory_space<semaphore_mem>>) src(%arg22 : memref<64x768xf32, #tpu.memory_space<vmem>>) dst(%dma_wait3A_356 : memref<64x768xf32, #tpu.memory_space<hbm>>)
    %dma_wait3A_357 = arith.constant 0 : i32
    %dma_wait3A_358 = tpu.memref_slice %arg20[%add3A_329, %dma_wait3A_357] : memref<4096x768xf32, #tpu.memory_space<hbm>> -> memref<64x768xf32, #tpu.memory_space<hbm>>
    %dma_wait3A_359 = arith.constant 0 : i32
    %dma_wait3A_360 = tpu.memref_slice %arg20[%add3A_329, %dma_wait3A_359] : memref<4096x768xf32, #tpu.memory_space<hbm>> -> memref<64x768xf32, #tpu.memory_space<hbm>>
    tpu.wait_dma2 semaphore(%arg26 : memref<!tpu.dma_semaphore, #tpu.memory_space<semaphore_mem>>) src(%arg22 : memref<64x768xf32, #tpu.memory_space<vmem>>) dst(%dma_wait3A_360 : memref<64x768xf32, #tpu.memory_space<hbm>>)
    %dma_wait3A_361 = arith.constant 0 : i32
    %dma_wait3A_362 = tpu.memref_slice %arg14[%add3A_344, %dma_wait3A_361] : memref<4096x768xf32, #tpu.memory_space<hbm>> -> memref<64x768xf32, #tpu.memory_space<hbm>>
    %dma_wait3A_363 = arith.constant 0 : i32
    %dma_wait3A_364 = tpu.memref_slice %arg14[%add3A_344, %dma_wait3A_363] : memref<4096x768xf32, #tpu.memory_space<hbm>> -> memref<64x768xf32, #tpu.memory_space<hbm>>
    tpu.wait_dma2 semaphore(%arg27 : memref<!tpu.dma_semaphore, #tpu.memory_space<semaphore_mem>>) src(%arg23 : memref<64x768xf32, #tpu.memory_space<vmem>>) dst(%dma_wait3A_364 : memref<64x768xf32, #tpu.memory_space<hbm>>)
    %dma_wait3A_365 = arith.constant 0 : i32
    %dma_wait3A_366 = tpu.memref_slice %arg20[%add3A_344, %dma_wait3A_365] : memref<4096x768xf32, #tpu.memory_space<hbm>> -> memref<64x768xf32, #tpu.memory_space<hbm>>
    %dma_wait3A_367 = arith.constant 0 : i32
    %dma_wait3A_368 = tpu.memref_slice %arg20[%add3A_344, %dma_wait3A_367] : memref<4096x768xf32, #tpu.memory_space<hbm>> -> memref<64x768xf32, #tpu.memory_space<hbm>>
    tpu.wait_dma2 semaphore(%arg27 : memref<!tpu.dma_semaphore, #tpu.memory_space<semaphore_mem>>) src(%arg23 : memref<64x768xf32, #tpu.memory_space<vmem>>) dst(%dma_wait3A_368 : memref<64x768xf32, #tpu.memory_space<hbm>>)
    return
  }
}

</mosaic_0001>

<sc_bundles>
// kernel: kernel.3.cloned.1.call-start
scs
__scs_entry_jumppad:
0x0: {  	(pc) =	sbr.rel $0x88, $3  }
0x1: {  	(tag) =	ssettag $0x0;
	lr =	simm.s32 $0x1  }
0x2: {  	[smem:$0x3F9A] =	sst lr;
	_ =	strace $0xD0000000  }
0x3: {  	_ = 	snop  }
0x4: {  	_ = 	snop  }
0x5: {  	_ = 	snop  }
0x6: {  	_ = 	snop  }
0x7: {  	_ = 	snop  }
__scs_overlays_trampoline_lowered:
0x8: {  	[smem:$0x3FA9] =	sst s0  }
0x9: {  	[smem:$0x3FAA] =	sst s1  }
0xa: {  	[smem:$0x3FAB] =	sst s2  }
0xb: {  	[smem:$0x3FAC] =	sst s3  }
0xc: {  	[smem:$0x3FAD] =	sst s4  }
0xd: {  	[smem:$0x3FAE] =	sst s5  }
0xe: {  	[smem:$0x3FAF] =	sst s6  }
0xf: {  	[smem:$0x3FB0] =	sst s7  }
0x10: {  	[smem:$0x3FB1] =	sst s8  }
0x11: {  	[smem:$0x3FB2] =	sst s9;
	s0 =	simm.s32 @!p0 $0x0  }
0x12: {  	s1 =	sld [smem:$0x3F98];
	s0 =	simm.s32 @p0 $0x1  }
0x13: {  	[smem:$0x3FB3] =	sst s0;
	s0 =	simm.s32 @!p1 $0x0  }
0x14: {  	s2 =	sld [smem:$0x3F97];
	s0 =	simm.s32 @p1 $0x1  }
0x15: {  	[smem:$0x3FB4] =	sst s0;
	s0 =	simm.s32 @!p2 $0x0  }
0x16: {  	s3 =	sld [smem:$0x3FDB];
	s0 =	simm.s32 @p2 $0x1  }
0x17: {  	s4 =	simm.s32 $0x1BF5;
	[smem:$0x3FB6] =	sst s0  }
0x18: {  	s0 =	sld [smem:$0x3F99];
	_ =	swait.ge [sflag:s4], $0x0  }
0x19: {  	s7 =	sld [smem:$0x3F9A]  }
0x1a: {  	s8 =	sadd.s32 $0xFFFFE003, lr  }
0x1b: {  	s9 =	sadd.s32 $0xFFFFFEF7, lr;
	s5 =	simm.s32 $0xFFFFFFFF;
	p2 =	slt.u32 s8, $0xFFFFF086  }
0x1c: {  	p1 =	slt.u32 s9, $0xF7A;
	s5 =	simm.s32 @!p2 $0x0  }
0x1d: {  	s5 =	simm.s32 @p1 $0x1;
	p0 =	seq.s32 s7, s2  }
0x1e: {  	s7 =	smul.u32 @!p0 $0xF7A, s2;
	p2 =	seq.s32 @!p0 s5, $0x0  }
0x1f: {  	s9 =	smul.u32 $0xF7A, s1;
	s8 =	simm.s32 @!p0 $0x1BF5;
	p2 =	por !p2, p0  }
0x20: {  	[sflag:s8] =	ssyncset.s32 @!p0 $0xFFFFF086;
	s6 =	sadd.s32 @!p0 s3, s7;
	s7 =	simm.s32 @!p0 $0x108  }
0x21: {  	s3 =	sadd.s32 s3, s9;
	s6 =	sadd.s32 @!p0 $0x88, s6;
	s7 =	simm.s32 @p2 $0x1082  }
0x22: {  	[simem:s7], [sflag:s8] =	dma.local @!p0 [hbm:s6], $0xF7A  }
0x23: {  	s9 =	sor.u32 $0xD0000000, s2;
	s6 =	simm.s32 $0x108;
	_ =	swait.ge @!p0 [sflag:s8], $0x0  }
0x24: {  	s3 =	sadd.s32 $0x88, s3;
	s6 =	simm.s32 @!p1 $0x1082;
	[sflag:s4] =	ssyncset.s32 $0xFFFFF086  }
0x25: {  	[simem:s6], [sflag:s4] =	dma.local [hbm:s3], $0xF7A  }
0x26: {  	[smem:$0x3F9A] =	sst s1;
	(tag) =	ssettag s2;
	_ =	strace s9  }
0x27: {  	s1 =	sld [smem:$0x3FAA]  }
0x28: {  	s2 =	sld [smem:$0x3FAB]  }
0x29: {  	s4 =	sld [smem:$0x3FAD]  }
0x2a: {  	p0 =	seq.s32 s5, $0x0;
	s5 =	sld [smem:$0x3FAE]  }
0x2b: {  	s6 =	sld [smem:$0x3FAF]  }
0x2c: {  	s7 =	sld [smem:$0x3FB0]  }
0x2d: {  	s3 =	simm.s32 $0x108;
	s8 =	sld [smem:$0x3FB1]  }
0x2e: {  	s3 =	simm.s32 @!p0 $0x1082;
	s9 =	sld [smem:$0x3FB2]  }
0x2f: {  	lr =	sadd.s32 s0, s3;
	s0 =	sld [smem:$0x3FA9]  }
0x30: {  	s3 =	sld [smem:$0x3FAC]  }
0x31: {  	[smem:$0x3FB5] =	sst s10  }
0x32: {  	s10 =	sld [smem:$0x3FB3];
	_ =	sdelay $0x3  }
0x33: {  	p0 =	seq.s32 s10, $0x1;
	s10 =	sld [smem:$0x3FB5];
	_ =	sdelay $0x3  }
0x34: {  	[smem:$0x3FB5] =	sst s10  }
0x35: {  	s10 =	sld [smem:$0x3FB4];
	_ =	sdelay $0x3  }
0x36: {  	p1 =	seq.s32 s10, $0x1;
	s10 =	sld [smem:$0x3FB5];
	_ =	sdelay $0x3  }
0x37: {  	[smem:$0x3FB5] =	sst s10  }
0x38: {  	s10 =	sld [smem:$0x3FB6]  }
0x39: {  	_ = 	snop;
	(pc) =	sbr.ind lr, $3  }
0x3a: {  	_ = 	snop  }
0x3b: {  	_ = 	snop  }
0x3c: {  	p2 =	seq.s32 s10, $0x1;
	s10 =	sld [smem:$0x3FB5]  }
0x3d: {  	_ =	shalt  }
0x3e: {  	_ =	shalt  }
0x3f: {  	_ =	shalt  }
0x40: {  	_ =	shalt  }
0x41: {  	_ =	shalt  }
0x42: {  	_ =	shalt  }
0x43: {  	_ =	shalt  }
0x44: {  	_ =	shalt  }
0x45: {  	_ =	shalt  }
0x46: {  	_ =	shalt  }
0x47: {  	_ =	shalt  }
0x48: {  	_ =	shalt  }
0x49: {  	_ =	shalt  }
0x4a: {  	_ =	shalt  }
0x4b: {  	_ =	shalt  }
0x4c: {  	_ =	shalt  }
0x4d: {  	_ =	shalt  }
0x4e: {  	_ =	shalt  }
0x4f: {  	_ =	shalt  }
0x50: {  	_ =	shalt  }
0x51: {  	_ =	shalt  }
0x52: {  	_ =	shalt  }
0x53: {  	_ =	shalt  }
0x54: {  	_ =	shalt  }
0x55: {  	_ =	shalt  }
0x56: {  	_ =	shalt  }
0x57: {  	_ =	shalt  }
0x58: {  	_ =	shalt  }
0x59: {  	_ =	shalt  }
0x5a: {  	_ =	shalt  }
0x5b: {  	_ =	shalt  }
0x5c: {  	_ =	shalt  }
0x5d: {  	_ =	shalt  }
0x5e: {  	_ =	shalt  }
0x5f: {  	_ =	shalt  }
0x60: {  	_ =	shalt  }
0x61: {  	_ =	shalt  }
0x62: {  	_ =	shalt  }
0x63: {  	_ =	shalt  }
0x64: {  	_ =	shalt  }
0x65: {  	_ =	shalt  }
0x66: {  	_ =	shalt  }
0x67: {  	_ =	shalt  }
0x68: {  	_ =	shalt  }
0x69: {  	_ =	shalt  }
0x6a: {  	_ =	shalt  }
0x6b: {  	_ =	shalt  }
0x6c: {  	_ =	shalt  }
0x6d: {  	_ =	shalt  }
0x6e: {  	_ =	shalt  }
0x6f: {  	_ =	shalt  }
0x70: {  	_ =	shalt  }
0x71: {  	_ =	shalt  }
0x72: {  	_ =	shalt  }
0x73: {  	_ =	shalt  }
0x74: {  	_ =	shalt  }
0x75: {  	_ =	shalt  }
0x76: {  	_ =	shalt  }
0x77: {  	_ =	shalt  }
0x78: {  	_ =	shalt  }
0x79: {  	_ =	shalt  }
0x7a: {  	_ =	shalt  }
0x7b: {  	_ =	shalt  }
0x7c: {  	_ =	shalt  }
0x7d: {  	_ =	shalt  }
0x7e: {  	_ =	shalt  }
0x7f: {  	_ =	shalt  }
0x80: {  	_ =	shalt  }
0x81: {  	_ =	shalt  }
0x82: {  	_ =	shalt  }
0x83: {  	_ =	shalt  }
0x84: {  	_ =	shalt  }
0x85: {  	_ =	shalt  }
0x86: {  	_ =	shalt  }
0x87: {  	_ =	shalt  }
.Lfunc_end0:
.L_simem_size_0:
called_computation_lowered:
.L_overlay_start_0:
0x88: {  	s2 =	sld [smem:$0x3FD9]  }
0x89: {  	s3 =	sld [smem:$0x3FFE];
	_ =	sdelay $0x1  }
0x8a: {  	s1 =	srdreg.scid  }
0x8b: {  	s0 =	sand.u32 $0x1, s1  }
0x8c: {  	s28 =	sshll.u32 s0, $0xA;
	s2 =	sadd.s32 s3, s2  }
0x8d: {  	s2 =	sadd.s32 s2, s28  }
0x8e: {  	[smem:$0x3FC1] =	sst s2  }
0x8f: {  	_ = 	snop  }
0x90: {  	s2 =	sld [smem:$0x3FC9]  }
0x91: {  	s3 =	sld [smem:$0x3FC8]  }
0x92: {  	s4 =	sld [smem:$0x3FC7]  }
0x93: {  	s5 =	sld [smem:$0x3FC6]  }
0x94: {  	s15 =	sld [smem:$0x3FD0]  }
0x95: {  	s6 =	sld [smem:$0x3FC5]  }
0x96: {  	s7 =	sld [smem:$0x3FC4]  }
0x97: {  	s17 =	simm.s32 $0xA;
	s19 =	simm.s32 $0x10;
	s8 =	sld [smem:$0x3FC3]  }
0x98: {  	[smem:s19], [sflag:s17] =	dma.local [hbm:s15], $0x1  }
0x99: {  	_ =	swait.eq [sflag:s17], $0x1  }
0x9a: {  	s9 =	sld [smem:$0x10]  }
0x9b: {  	s10 =	sld [smem:$0x11]  }
0x9c: {  	s11 =	sld [smem:$0x12]  }
0x9d: {  	s12 =	sld [smem:$0x13]  }
0x9e: {  	s13 =	sld [smem:$0x14]  }
0x9f: {  	s14 =	sld [smem:$0x15];
	[sflag:s17] =	ssyncset.done $0x0  }
0xa0: {  	s16 =	sld [smem:$0x16];
	[sflag:s17] =	ssyncadd.s32 $0xFFFFFFFF  }
0xa1: {  	s15 =	sadd.s32 $0x1, s15;
	s18 =	sld [smem:$0x17]  }
0xa2: {  	[smem:s19], [sflag:s17] =	dma.local [hbm:s15], $0x1  }
0xa3: {  	_ =	swait.eq [sflag:s17], $0x1  }
0xa4: {  	s19 =	sld [smem:$0x10]  }
0xa5: {  	s20 =	sld [smem:$0x11];
	[sflag:s17] =	ssyncset.done $0x0  }
0xa6: {  	s21 =	sld [smem:$0x12];
	[sflag:s17] =	ssyncadd.s32 $0xFFFFFFFF  }
0xa7: {  	s15 =	sld [smem:$0x13];
	(tm) =	ssettm $0x1  }
0xa8: {  	s29 =	sld [smem:$0x3FFB];
	_ =	sdelay $0x3  }
0xa9: {  	_ =	strace s29  }
0xaa: {  	s17 =	sld [smem:$0x3FFC];
	_ =	sdelay $0x3  }
0xab: {  	_ =	strace s17  }
0xac: {  	s17 =	sld [smem:$0x3FFD];
	_ =	sdelay $0x3  }
0xad: {  	_ =	strace s17  }
0xae: {  	_ =	strace $0x8FFFFFFF  }
0xaf: {  	s30 =	sld [smem:$0x3FDB];
	_ =	sdelay $0x1  }
0xb0: {  	s22 =	simm.s32 $_scs_section_size  }
0xb1: {  	s23 =	simm.s32 $_size__tile_task_arg_handler_lowered;
	s24 =	simm.s32 $_tile_task_arg_handler_lowered  }
0xb2: {  	s26 =	simm.s32 $0x1BFF;
	s25 =	sshll.u32 s24, $0x1;
	s22 =	sadd.s32 s22, s30  }
0xb3: {  	s31 =	sshll.u32 s23, $0x1;
	s23 =	sadd.s32 s25, s22;
	s25 =	simm.s32 $0x60  }
0xb4: {  	[timem:s25], [sflag:s26] =	dma.local [hbm:s23], s31  }
0xb5: {  	_ =	swait.ge [sflag:s26], s31  }
0xb6: {  	s28 =	simm.s32 $_tile_overlayer_lowered;
	s17 =	ssub.s32 $0x0, s31;
	[sflag:s26] =	ssyncset.done $0x0  }
0xb7: {  	s29 =	simm.s32 $_size__tile_overlayer_lowered;
	s23 =	sshll.u32 s28, $0x1;
	[sflag:s26] =	ssyncadd.s32 s17  }
0xb8: {  	s30 =	sshll.u32 s29, $0x1;
	s23 =	sadd.s32 s23, s22;
	s17 =	simm.s32 $0x0  }
0xb9: {  	[timem:s17], [sflag:s26] =	dma.local [hbm:s23], s30  }
0xba: {  	_ =	swait.ge [sflag:s26], s30  }
0xbb: {  	s31 =	ssub.s32 $0x0, s30;
	[sflag:s26] =	ssyncset.done $0x0  }
0xbc: {  	[sflag:s26] =	ssyncadd.s32 s31;
	_ =	sdelay $0x1  }
0xbd: {  	s24 =	simm.s32 $0x1B8B  }
0xbe: {  	_ =	swait.ge [sflag:s24], $0x1  }
0xbf: {  	[sflag:s24] =	ssyncset.done $0x0  }
0xc0: {  	s25 =	simm.s32 $0x1B8E;
	[sflag:s24] =	ssyncadd.s32 $0xFFFFFFFF  }
0xc1: {  	s26 =	simm.s32 $execute0_lowered;
	[smem:$0x3FD2] =	sst s25  }
0xc2: {  	s23 =	sshll.u32 s26, $0x1;
	_ =	strace $0x80000046;
	[dreg:$0x1] =	wrdreg $0xFFFFFFFF  }
0xc3: {  	s28 =	simm.s32 $_size_execute0_lowered;
	s22 =	sadd.s32 s22, s23;
	[dreg:$0x0] =	wrdreg $0x0  }
0xc4: {  	s23 =	sshll.u32 s28, $0x1;
	[dreg:$0x2] =	wrdreg s22  }
0xc5: {  	[dreg:$0x3] =	wrdreg s23  }
0xc6: {  	[dreg:$0x4] =	wrdreg $0xC0  }
0xc7: {  	_ =	task [dreg:s17], $0x5FFFF  }
0xc8: {  	[dreg:$0x1] =	wrdreg $0xFFFFFFFF  }
0xc9: {  	[dreg:$0x0] =	wrdreg $0x30  }
0xca: {  	[dreg:$0x2] =	wrdreg $0x0  }
0xcb: {  	[dreg:$0x3] =	wrdreg s21  }
0xcc: {  	[dreg:$0x4] =	wrdreg s20  }
0xcd: {  	[dreg:$0x5] =	wrdreg s19  }
0xce: {  	[dreg:$0x6] =	wrdreg s18  }
0xcf: {  	[dreg:$0x7] =	wrdreg s16  }
0xd0: {  	[dreg:$0x8] =	wrdreg $0x9  }
0xd1: {  	_ =	task [dreg:s17], $0x9FFFF  }
0xd2: {  	[dreg:$0x1] =	wrdreg $0xFFFFFFFF  }
0xd3: {  	[dreg:$0x0] =	wrdreg $0x60  }
0xd4: {  	[dreg:$0x2] =	wrdreg s2  }
0xd5: {  	[dreg:$0x3] =	wrdreg s3  }
0xd6: {  	[dreg:$0x4] =	wrdreg s4  }
0xd7: {  	[dreg:$0x5] =	wrdreg s5  }
0xd8: {  	[dreg:$0x6] =	wrdreg s6  }
0xd9: {  	[dreg:$0x7] =	wrdreg s7  }
0xda: {  	[dreg:$0x8] =	wrdreg s8  }
0xdb: {  	[dreg:$0x9] =	wrdreg s9  }
0xdc: {  	[dreg:$0xa] =	wrdreg s10  }
0xdd: {  	[dreg:$0xb] =	wrdreg s11  }
0xde: {  	[dreg:$0xc] =	wrdreg s12  }
0xdf: {  	[dreg:$0xd] =	wrdreg s13  }
0xe0: {  	[dreg:$0xe] =	wrdreg s14  }
0xe1: {  	[dreg:$0xf] =	wrdreg s15  }
0xe2: {  	_ =	task.clear_ibuf [dreg:s17], $0x10FFFF;
	_ =	strace $0x90000046  }
0xe3: {  	s29 =	simm.s32 $0x9;
	_ =	strace $0x80000048  }
0xe4: {  	_ =	swait.ge [sflag:s29], $0x1  }
0xe5: {  	[sflag:s29] =	ssyncadd.s32 $0xFFFFFFFF  }
0xe6: {  	_ =	strace $0x90000048  }
0xe7: {  	_ =	sfence  }
0xe8: {  	s30 =	sld [smem:$0x0];
	_ =	sdelay $0x2  }
0xe9: {  	s31 =	sshll.u32 s1, $0xD;
	s1 =	sshrl.u32 s1, $0x2  }
0xea: {  	s3 =	sand.u32 $0x4000, s31;
	s1 =	sadd.s32 s1, s30  }
0xeb: {  	s0 =	sor.u32 s3, s0;
	s1 =	sshll.u32 s1, $0x11  }
0xec: {  	s0 =	sor.u32 s1, s0  }
0xed: {  	s0 =	sadd.s32 $0x8F2B, s0  }
0xee: {  	[sflag:s0] =	ssyncadd.remote.s32 $0x1  }
0xef: {  	_ =	sfence.sel $0xFFFF  }
0xf0: {  	[dreg:$0x0] =	wrdreg $0xFFFFFFFF;
	(pc) =	sbr.abs _section_cstart, $3  }
0xf1: {  	[dreg:$0x1] =	wrdreg $0xFFFFFFFF  }
0xf2: {  	_ =	task.clear_ibuf [dreg:s17], $0x2FFFF;
	_ =	strace $0x9FFFFFFF  }
0xf3: {  	(tm) =	ssettm $0x7FFFFFFF  }
tec
_tile_task_arg_handler_lowered:
.L_overlay_start_1:
0x0: {  	(tag) =	ssettag $0x1  }
0x1: {  	s0 =	rddreg [dreg:$0x0]  }
0x2: {  	s1 =	rddreg [dreg:$0x1]  }
0x3: {  	s2 =	rddreg [dreg:$0x2]  }
0x4: {  	s3 =	rddreg [dreg:$0x3]  }
0x5: {  	s4 =	rddreg [dreg:$0x4]  }
0x6: {  	s5 =	rddreg [dreg:$0x5]  }
0x7: {  	s6 =	rddreg [dreg:$0x6]  }
0x8: {  	s7 =	rddreg [dreg:$0x7]  }
0x9: {  	s8 =	rddreg [dreg:$0x8]  }
0xa: {  	s9 =	rddreg [dreg:$0x9]  }
0xb: {  	s10 =	rddreg [dreg:$0xa]  }
0xc: {  	s11 =	rddreg [dreg:$0xb]  }
0xd: {  	s12 =	rddreg [dreg:$0xc]  }
0xe: {  	s13 =	rddreg [dreg:$0xd]  }
0xf: {  	[smem:s0] =	sst s1  }
0x10: {  	[smem:s0+$0x1] =	sst s2  }
0x11: {  	[smem:s0+$0x2] =	sst s3  }
0x12: {  	[smem:s0+$0x3] =	sst s4  }
0x13: {  	[smem:s0+$0x4] =	sst s5  }
0x14: {  	[smem:s0+$0x5] =	sst s6  }
0x15: {  	[smem:s0+$0x6] =	sst s7  }
0x16: {  	[smem:s0+$0x7] =	sst s8  }
0x17: {  	[smem:s0+$0x8] =	sst s9  }
0x18: {  	[smem:s0+$0x9] =	sst s10  }
0x19: {  	[smem:s0+$0xA] =	sst s11  }
0x1a: {  	[smem:s0+$0xB] =	sst s12  }
0x1b: {  	[smem:s0+$0xC] =	sst s13;
	_ =	shalt  }
.Lfunc_end2:
execute0_lowered:
.L_overlay_start_2:
0x1c: {  	(tag) =	ssettag $0x2  }
0x1d: {  	s9 =	rddreg [dreg:$0x0]  }
0x1e: {  	s0 =	rddreg [dreg:$0x1]  }
0x1f: {  	s1 =	rddreg [dreg:$0x2]  }
0x20: {  	s2 =	rddreg [dreg:$0x3]  }
0x21: {  	s3 =	rddreg [dreg:$0x4]  }
0x22: {  	s4 =	rddreg [dreg:$0x5]  }
0x23: {  	s5 =	rddreg [dreg:$0x6]  }
0x24: {  	s10 =	rddreg [dreg:$0x7]  }
0x25: {  	s11 =	rddreg [dreg:$0x8]  }
0x26: {  	s12 =	rddreg [dreg:$0x9]  }
0x27: {  	s13 =	rddreg [dreg:$0xa]  }
0x28: {  	s14 =	rddreg [dreg:$0xb]  }
0x29: {  	s7 =	rddreg [dreg:$0xc]  }
0x2a: {  	s16 =	rddreg [dreg:$0xd];
	s6 =	simm.s32 $0x0  }
0x2b: {  	[smem:$0x7FF] =	sst s6  }
0x2c: {  	s17 =	sld [smem:$0x0]  }
0x2d: {  	s8 =	srdreg.scid;
	s18 =	sld [smem:$0x1]  }
0x2e: {  	s21 =	stileid.u32;
	s19 =	sld [smem:$0x2]  }
0x2f: {  	s20 =	sand.u32 $0x1, s8;
	s21 =	sshll.u32 s21, $0x1;
	s15 =	sld [smem:$0x3]  }
0x30: {  	s22 =	sor.u32 s20, s21;
	s24 =	sld [smem:$0x5]  }
0x31: {  	s8 =	sld [smem:$0x4];
	s21 =	sand.u32 $0x10, s21;
	s23 =	sshll.u32 s22, $0x5  }
0x32: {  	s9 =	sadd.s32 s9, s21;
	s21 =	smul.u32 $0x3000, s22;
	s23 =	sand.u32 $0x1E0, s23  }
0x33: {  	[smem:$0x7F6] =	sst s24;
	s9 =	sadd.s32 s23, s9  }
0x34: {  	s29 =	sadd.s32 s10, s21;
	_ =	strace $0x80000047;
	[dreg:$0xe] =	wrdreg s9  }
0x35: {  	s22 =	smul.u32 $0x18000, s22;
	s30 =	sadd.s32 s16, s21;
	[dreg:$0xf] =	wrdreg s29  }
0x36: {  	s23 =	sadd.s32 s17, s21;
	[dreg:$0x10] =	wrdreg s30  }
0x37: {  	s22 =	sshrl.u32 s22, $0x3;
	s26 =	sadd.s32 s12, s21;
	[dreg:$0x14] =	wrdreg s23  }
0x38: {  	s22 =	sadd.s32 $0x1800, s22;
	[dreg:$0x17] =	wrdreg s26;
	s29 =	sadd.s32 s18, s21  }
0x39: {  	s31 =	sadd.s32 s10, s22;
	[dreg:$0x18] =	wrdreg s29  }
0x3a: {  	s10 =	sadd.s32 s16, s22;
	[dreg:$0x11] =	wrdreg s31  }
0x3b: {  	s16 =	sadd.s32 s11, s21;
	[dreg:$0x12] =	wrdreg s10  }
0x3c: {  	s24 =	sadd.s32 s11, s22;
	[dreg:$0x13] =	wrdreg s16  }
0x3d: {  	s25 =	sadd.s32 s17, s22;
	[dreg:$0x15] =	wrdreg s24  }
0x3e: {  	s28 =	simm.s32 $0xC080;
	s30 =	sadd.s32 s12, s22;
	[dreg:$0x16] =	wrdreg s25  }
0x3f: {  	s9 =	sadd.s32 $0x100, s0;
	s11 =	sadd.s32 s18, s22;
	[dreg:$0x19] =	wrdreg s30  }
0x40: {  	s17 =	sadd.s32 s19, s21;
	s18 =	sadd.s32 s13, s22;
	[dreg:$0x1a] =	wrdreg s11  }
0x41: {  	s19 =	sadd.s32 s19, s22;
	s26 =	sadd.s32 s15, s22;
	[dreg:$0x1c] =	wrdreg s17  }
0x42: {  	s29 =	sadd.s32 s7, s21;
	s7 =	sadd.s32 s7, s22;
	[dreg:$0x1d] =	wrdreg s18  }
0x43: {  	s31 =	ssub.s32 $0x2, s20;
	s16 =	sadd.s32 s13, s21;
	[dreg:$0x1e] =	wrdreg s19  }
0x44: {  	s10 =	sadd.s32 $0x200, s0;
	s11 =	sadd.s32 $0x100, s1;
	[smem:$0x7F9] =	sst s26  }
0x45: {  	s20 =	sadd.s32 s14, s21;
	s24 =	sadd.s32 s15, s21;
	[smem:$0x7FA] =	sst s29  }
0x46: {  	s13 =	sadd.s32 $0x100, s2;
	s25 =	sadd.s32 s14, s22;
	[smem:$0x7FC] =	sst s7  }
0x47: {  	s14 =	sadd.s32 $0x200, s2;
	s15 =	sadd.s32 $0x100, s3;
	[dreg:$0x1b] =	wrdreg s16  }
0x48: {  	s30 =	sadd.s32 s8, s21;
	s17 =	sadd.s32 $0x100, s4;
	[dreg:$0x1f] =	wrdreg s20  }
0x49: {  	s18 =	sadd.s32 $0x200, s4;
	s19 =	sadd.s32 $0x100, s5;
	[smem:$0x7F7] =	sst s24  }
0x4a: {  	s26 =	simm.s32 $0x4;
	s12 =	sshrl.u32 s31, $0x1;
	[smem:$0x7F8] =	sst s25  }
0x4b: {  	s16 =	sadd.s32 $0x200, s3;
	[smem:$0x7FB] =	sst s30;
	s20 =	sadd.s32 $0x200, s5  }
0x4c: {  	v2 =	vlaneseq.u32;
	s24 =	simm.s32 $0x3;
	s25 =	simm.s32 $0x2;
	s23 =	ssub.s32 s31, s12  }
0x4d: {  	vm0 =	vmmov $0xffff;
	v1 =	vshrl.u32 v2, $0x3;
	s12 =	sadd.s32 $0x200, s1;
	s31 =	sadd.s32 s8, s22;
	s22 =	simm.s32 $0x1  }
0x4e: {  	v0 =	vand.u32 $0x7, v2;
	v2 =	vor.u32 $0x8, v2;
	v1 =	vmul.u32 $0x8, v1;
	[smem:$0x7FD] =	sst s31;
	s7 =	smax.u32 s23, $0x1;
	s23 =	simm.s32 $0x80  }
.LBB3_1:
0x4f: {  	[smem:$0x7F5] =	sst s7  }
0x50: {  	s29 =	rddreg [dreg:$0xe];
	s2 =	simm.s32 $0x5  }
0x51: {  	[tilespmem:s6], [sflag:$0x5] =	stream.linear.gather [hbm4b:s29+s6], $0x80, $0x38;
	[tilespmem:$0x18080] =	vst v63  }
0x52: {  	_ =	swait.ge [sflag:s2], $0x80  }
0x53: {  	[sflag:s2] =	ssyncset.done $0x0  }
0x54: {  	[sflag:s2] =	ssyncadd.s32 $0xFFFFFF80  }
0x55: {  	v3 =	vld [tilespmem:$0x0];
	_ =	sdelay $0x4  }
0x56: {  	v4 =	vshrl.u32 v3, $0x3  }
0x57: {  	v4 =	vmul.u32 $0x30, v4  }
0x58: {  	v3 =	vand.u32 $0x7, v3  }
0x59: {  	v3 =	vor.u32 v3, v4  }
0x5a: {  	v4 =	vperm.xlane v3, v0;
	_ =	sdelay $0x1  }
0x5b: {  	v4 =	vadd.s32 v1, v4;
	_ =	sdelay $0x3  }
0x5c: {  	s0 =	rddreg [dreg:$0x1];
	v3 =	vperm.xlane v3, v2  }
0x5d: {  	[tilespmem:s23], [sflag:$0x1] =	stream.indirect_vreg.gather [hbm4b:s0+s6], $0x80, v4, vm0, $0xb8;
	[tilespmem:$0x18080] =	vst v63  }
0x5e: {  	s3 =	simm.s32 $0x880;
	v3 =	vadd.s32 v1, v3  }
0x5f: {  	[tilespmem:s3], [sflag:$0x1] =	stream.indirect_vreg.gather [hbm4b:s9+s6], $0x80, v4, vm0, $0xb8;
	[tilespmem:$0x18080] =	vst v63  }
0x60: {  	s4 =	simm.s32 $0x1080  }
0x61: {  	[tilespmem:s4], [sflag:$0x1] =	stream.indirect_vreg.gather [hbm4b:s10+s6], $0x80, v4, vm0, $0xb8;
	[tilespmem:$0x18080] =	vst v63  }
0x62: {  	s5 =	simm.s32 $0x1880  }
0x63: {  	[tilespmem:s5], [sflag:$0x1] =	stream.indirect_vreg.gather [hbm4b:s0+s6], $0x80, v3, vm0, $0xb8;
	[tilespmem:$0x18080] =	vst v63  }
0x64: {  	s8 =	simm.s32 $0x2080  }
0x65: {  	[tilespmem:s8], [sflag:$0x1] =	stream.indirect_vreg.gather [hbm4b:s9+s6], $0x80, v3, vm0, $0xb8;
	[tilespmem:$0x18080] =	vst v63  }
0x66: {  	s21 =	simm.s32 $0x2880  }
0x67: {  	[tilespmem:s21], [sflag:$0x1] =	stream.indirect_vreg.gather [hbm4b:s10+s6], $0x80, v3, vm0, $0xb8;
	[tilespmem:$0x18080] =	vst v63  }
0x68: {  	v3 =	vld [tilespmem:$0x10];
	_ =	sdelay $0x4  }
0x69: {  	v17 =	vshrl.u32 v3, $0x3  }
0x6a: {  	v4 =	vmul.u32 $0x30, v17  }
0x6b: {  	v3 =	vand.u32 $0x7, v3  }
0x6c: {  	v3 =	vor.u32 v3, v4  }
0x6d: {  	v4 =	vperm.xlane v3, v0;
	_ =	sdelay $0x1  }
0x6e: {  	v4 =	vadd.s32 v1, v4;
	_ =	sdelay $0x3  }
0x6f: {  	s29 =	simm.s32 $0x3080;
	v3 =	vperm.xlane v3, v2  }
0x70: {  	[tilespmem:s29], [sflag:$0x1] =	stream.indirect_vreg.gather [hbm4b:s0+s6], $0x80, v4, vm0, $0xb8;
	[tilespmem:$0x18080] =	vst v63  }
0x71: {  	s30 =	simm.s32 $0x3880;
	v3 =	vadd.s32 v1, v3  }
0x72: {  	[tilespmem:s30], [sflag:$0x1] =	stream.indirect_vreg.gather [hbm4b:s9+s6], $0x80, v4, vm0, $0xb8;
	[tilespmem:$0x18080] =	vst v63  }
0x73: {  	s31 =	simm.s32 $0x4080  }
0x74: {  	[tilespmem:s31], [sflag:$0x1] =	stream.indirect_vreg.gather [hbm4b:s10+s6], $0x80, v4, vm0, $0xb8;
	[tilespmem:$0x18080] =	vst v63  }
0x75: {  	s2 =	simm.s32 $0x4880  }
0x76: {  	[tilespmem:s2], [sflag:$0x1] =	stream.indirect_vreg.gather [hbm4b:s0+s6], $0x80, v3, vm0, $0xb8;
	[tilespmem:$0x18080] =	vst v63  }
0x77: {  	s4 =	simm.s32 $0x5080  }
0x78: {  	[tilespmem:s4], [sflag:$0x1] =	stream.indirect_vreg.gather [hbm4b:s9+s6], $0x80, v3, vm0, $0xb8;
	[tilespmem:$0x18080] =	vst v63  }
0x79: {  	s5 =	simm.s32 $0x5880  }
0x7a: {  	[tilespmem:s5], [sflag:$0x1] =	stream.indirect_vreg.gather [hbm4b:s10+s6], $0x80, v3, vm0, $0xb8;
	[tilespmem:$0x18080] =	vst v63  }
0x7b: {  	v3 =	vld [tilespmem:$0x20];
	_ =	sdelay $0x4  }
0x7c: {  	v18 =	vshrl.u32 v3, $0x3  }
0x7d: {  	v4 =	vmul.u32 $0x30, v18  }
0x7e: {  	v3 =	vand.u32 $0x7, v3  }
0x7f: {  	v3 =	vor.u32 v3, v4  }
0x80: {  	v4 =	vperm.xlane v3, v0;
	_ =	sdelay $0x1  }
0x81: {  	v4 =	vadd.s32 v1, v4;
	_ =	sdelay $0x3  }
0x82: {  	s8 =	simm.s32 $0x6080;
	v3 =	vperm.xlane v3, v2  }
0x83: {  	[tilespmem:s8], [sflag:$0x1] =	stream.indirect_vreg.gather [hbm4b:s0+s6], $0x80, v4, vm0, $0xb8;
	[tilespmem:$0x18080] =	vst v63  }
0x84: {  	s21 =	simm.s32 $0x6880;
	v3 =	vadd.s32 v1, v3  }
0x85: {  	[tilespmem:s21], [sflag:$0x1] =	stream.indirect_vreg.gather [hbm4b:s9+s6], $0x80, v4, vm0, $0xb8;
	[tilespmem:$0x18080] =	vst v63  }
0x86: {  	s29 =	simm.s32 $0x7080  }
0x87: {  	[tilespmem:s29], [sflag:$0x1] =	stream.indirect_vreg.gather [hbm4b:s10+s6], $0x80, v4, vm0, $0xb8;
	[tilespmem:$0x18080] =	vst v63  }
0x88: {  	s30 =	simm.s32 $0x7880  }
0x89: {  	[tilespmem:s30], [sflag:$0x1] =	stream.indirect_vreg.gather [hbm4b:s0+s6], $0x80, v3, vm0, $0xb8;
	[tilespmem:$0x18080] =	vst v63  }
0x8a: {  	s31 =	simm.s32 $0x8080  }
0x8b: {  	[tilespmem:s31], [sflag:$0x1] =	stream.indirect_vreg.gather [hbm4b:s9+s6], $0x80, v3, vm0, $0xb8;
	[tilespmem:$0x18080] =	vst v63  }
0x8c: {  	s2 =	simm.s32 $0x8880  }
0x8d: {  	[tilespmem:s2], [sflag:$0x1] =	stream.indirect_vreg.gather [hbm4b:s10+s6], $0x80, v3, vm0, $0xb8;
	[tilespmem:$0x18080] =	vst v63  }
0x8e: {  	v3 =	vld [tilespmem:$0x30];
	_ =	sdelay $0x4  }
0x8f: {  	v19 =	vshrl.u32 v3, $0x3  }
0x90: {  	v4 =	vmul.u32 $0x30, v19  }
0x91: {  	v3 =	vand.u32 $0x7, v3  }
0x92: {  	v3 =	vor.u32 v3, v4  }
0x93: {  	v4 =	vperm.xlane v3, v0;
	_ =	sdelay $0x1  }
0x94: {  	v4 =	vadd.s32 v1, v4;
	_ =	sdelay $0x3  }
0x95: {  	s8 =	simm.s32 $0x9080;
	v3 =	vperm.xlane v3, v2  }
0x96: {  	[tilespmem:s8], [sflag:$0x1] =	stream.indirect_vreg.gather [hbm4b:s0+s6], $0x80, v4, vm0, $0xb8;
	[tilespmem:$0x18080] =	vst v63  }
0x97: {  	s21 =	simm.s32 $0x9880;
	v3 =	vadd.s32 v1, v3  }
0x98: {  	[tilespmem:s21], [sflag:$0x1] =	stream.indirect_vreg.gather [hbm4b:s9+s6], $0x80, v4, vm0, $0xb8;
	[tilespmem:$0x18080] =	vst v63  }
0x99: {  	s29 =	simm.s32 $0xA080  }
0x9a: {  	[tilespmem:s29], [sflag:$0x1] =	stream.indirect_vreg.gather [hbm4b:s10+s6], $0x80, v4, vm0, $0xb8;
	[tilespmem:$0x18080] =	vst v63  }
0x9b: {  	s30 =	simm.s32 $0xA880  }
0x9c: {  	[tilespmem:s30], [sflag:$0x1] =	stream.indirect_vreg.gather [hbm4b:s0+s6], $0x80, v3, vm0, $0xb8;
	[tilespmem:$0x18080] =	vst v63  }
0x9d: {  	s31 =	simm.s32 $0xB080  }
0x9e: {  	[tilespmem:s31], [sflag:$0x1] =	stream.indirect_vreg.gather [hbm4b:s9+s6], $0x80, v3, vm0, $0xb8;
	[tilespmem:$0x18080] =	vst v63  }
0x9f: {  	s2 =	simm.s32 $0xB880  }
0xa0: {  	[tilespmem:s2], [sflag:$0x1] =	stream.indirect_vreg.gather [hbm4b:s10+s6], $0x80, v3, vm0, $0xb8;
	[tilespmem:$0x18080] =	vst v63  }
0xa1: {  	v3 =	vld [tilespmem:$0x40];
	_ =	sdelay $0x4  }
0xa2: {  	v20 =	vshrl.u32 v3, $0x3  }
0xa3: {  	v4 =	vmul.u32 $0x30, v20  }
0xa4: {  	v3 =	vand.u32 $0x7, v3  }
0xa5: {  	v3 =	vor.u32 v3, v4  }
0xa6: {  	v4 =	vperm.xlane v3, v0;
	_ =	sdelay $0x1  }
0xa7: {  	v4 =	vadd.s32 v1, v4;
	_ =	sdelay $0x3  }
0xa8: {  	v3 =	vperm.xlane v3, v2  }
0xa9: {  	[tilespmem:s28], [sflag:$0x2] =	stream.indirect_vreg.gather [hbm4b:s0+s6], $0x80, v4, vm0, $0xb8;
	[tilespmem:$0x18080] =	vst v63  }
0xaa: {  	s8 =	simm.s32 $0xC880;
	v3 =	vadd.s32 v1, v3  }
0xab: {  	[tilespmem:s8], [sflag:$0x2] =	stream.indirect_vreg.gather [hbm4b:s9+s6], $0x80, v4, vm0, $0xb8;
	[tilespmem:$0x18080] =	vst v63  }
0xac: {  	s21 =	simm.s32 $0xD080  }
0xad: {  	[tilespmem:s21], [sflag:$0x2] =	stream.indirect_vreg.gather [hbm4b:s10+s6], $0x80, v4, vm0, $0xb8;
	[tilespmem:$0x18080] =	vst v63  }
0xae: {  	s30 =	simm.s32 $0xD880  }
0xaf: {  	[tilespmem:s30], [sflag:$0x2] =	stream.indirect_vreg.gather [hbm4b:s0+s6], $0x80, v3, vm0, $0xb8;
	[tilespmem:$0x18080] =	vst v63  }
0xb0: {  	s31 =	simm.s32 $0xE080  }
0xb1: {  	[tilespmem:s31], [sflag:$0x2] =	stream.indirect_vreg.gather [hbm4b:s9+s6], $0x80, v3, vm0, $0xb8;
	[tilespmem:$0x18080] =	vst v63  }
0xb2: {  	s2 =	simm.s32 $0xE880  }
0xb3: {  	[tilespmem:s2], [sflag:$0x2] =	stream.indirect_vreg.gather [hbm4b:s10+s6], $0x80, v3, vm0, $0xb8;
	[tilespmem:$0x18080] =	vst v63  }
0xb4: {  	v3 =	vld [tilespmem:$0x50];
	_ =	sdelay $0x4  }
0xb5: {  	v21 =	vshrl.u32 v3, $0x3  }
0xb6: {  	v4 =	vmul.u32 $0x30, v21  }
0xb7: {  	v3 =	vand.u32 $0x7, v3  }
0xb8: {  	v3 =	vor.u32 v3, v4  }
0xb9: {  	v4 =	vperm.xlane v3, v0;
	_ =	sdelay $0x1  }
0xba: {  	v4 =	vadd.s32 v1, v4;
	_ =	sdelay $0x3  }
0xbb: {  	s7 =	simm.s32 $0xF080;
	v3 =	vperm.xlane v3, v2  }
0xbc: {  	[tilespmem:s7], [sflag:$0x2] =	stream.indirect_vreg.gather [hbm4b:s0+s6], $0x80, v4, vm0, $0xb8;
	[tilespmem:$0x18080] =	vst v63  }
0xbd: {  	s8 =	simm.s32 $0xF880;
	v3 =	vadd.s32 v1, v3  }
0xbe: {  	[tilespmem:s8], [sflag:$0x2] =	stream.indirect_vreg.gather [hbm4b:s9+s6], $0x80, v4, vm0, $0xb8;
	[tilespmem:$0x18080] =	vst v63  }
0xbf: {  	s21 =	simm.s32 $0x10080  }
0xc0: {  	[tilespmem:s21], [sflag:$0x2] =	stream.indirect_vreg.gather [hbm4b:s10+s6], $0x80, v4, vm0, $0xb8;
	[tilespmem:$0x18080] =	vst v63  }
0xc1: {  	s30 =	simm.s32 $0x10880  }
0xc2: {  	[tilespmem:s30], [sflag:$0x2] =	stream.indirect_vreg.gather [hbm4b:s0+s6], $0x80, v3, vm0, $0xb8;
	[tilespmem:$0x18080] =	vst v63  }
0xc3: {  	s31 =	simm.s32 $0x11080  }
0xc4: {  	[tilespmem:s31], [sflag:$0x2] =	stream.indirect_vreg.gather [hbm4b:s9+s6], $0x80, v3, vm0, $0xb8;
	[tilespmem:$0x18080] =	vst v63  }
0xc5: {  	s2 =	simm.s32 $0x11880  }
0xc6: {  	[tilespmem:s2], [sflag:$0x2] =	stream.indirect_vreg.gather [hbm4b:s10+s6], $0x80, v3, vm0, $0xb8;
	[tilespmem:$0x18080] =	vst v63  }
0xc7: {  	v3 =	vld [tilespmem:$0x60];
	_ =	sdelay $0x4  }
0xc8: {  	v22 =	vshrl.u32 v3, $0x3  }
0xc9: {  	v4 =	vmul.u32 $0x30, v22  }
0xca: {  	v3 =	vand.u32 $0x7, v3  }
0xcb: {  	v3 =	vor.u32 v3, v4  }
0xcc: {  	v4 =	vperm.xlane v3, v0;
	_ =	sdelay $0x1  }
0xcd: {  	v4 =	vadd.s32 v1, v4;
	_ =	sdelay $0x3  }
0xce: {  	s7 =	simm.s32 $0x12080;
	v3 =	vperm.xlane v3, v2  }
0xcf: {  	[tilespmem:s7], [sflag:$0x2] =	stream.indirect_vreg.gather [hbm4b:s0+s6], $0x80, v4, vm0, $0xb8;
	[tilespmem:$0x18080] =	vst v63  }
0xd0: {  	s8 =	simm.s32 $0x12880;
	v3 =	vadd.s32 v1, v3  }
0xd1: {  	[tilespmem:s8], [sflag:$0x2] =	stream.indirect_vreg.gather [hbm4b:s9+s6], $0x80, v4, vm0, $0xb8;
	[tilespmem:$0x18080] =	vst v63  }
0xd2: {  	s21 =	simm.s32 $0x13080  }
0xd3: {  	[tilespmem:s21], [sflag:$0x2] =	stream.indirect_vreg.gather [hbm4b:s10+s6], $0x80, v4, vm0, $0xb8;
	[tilespmem:$0x18080] =	vst v63  }
0xd4: {  	s30 =	simm.s32 $0x13880  }
0xd5: {  	[tilespmem:s30], [sflag:$0x2] =	stream.indirect_vreg.gather [hbm4b:s0+s6], $0x80, v3, vm0, $0xb8;
	[tilespmem:$0x18080] =	vst v63  }
0xd6: {  	s31 =	simm.s32 $0x14080  }
0xd7: {  	[tilespmem:s31], [sflag:$0x2] =	stream.indirect_vreg.gather [hbm4b:s9+s6], $0x80, v3, vm0, $0xb8;
	[tilespmem:$0x18080] =	vst v63  }
0xd8: {  	s2 =	simm.s32 $0x14880  }
0xd9: {  	[tilespmem:s2], [sflag:$0x2] =	stream.indirect_vreg.gather [hbm4b:s10+s6], $0x80, v3, vm0, $0xb8;
	[tilespmem:$0x18080] =	vst v63  }
0xda: {  	v3 =	vld [tilespmem:$0x70];
	_ =	sdelay $0x4  }
0xdb: {  	v23 =	vshrl.u32 v3, $0x3  }
0xdc: {  	v4 =	vmul.u32 $0x30, v23  }
0xdd: {  	v3 =	vand.u32 $0x7, v3  }
0xde: {  	v3 =	vor.u32 v3, v4  }
0xdf: {  	v4 =	vperm.xlane v3, v0;
	_ =	sdelay $0x1  }
0xe0: {  	v4 =	vadd.s32 v1, v4;
	_ =	sdelay $0x3  }
0xe1: {  	s7 =	simm.s32 $0x15080;
	v3 =	vperm.xlane v3, v2  }
0xe2: {  	[tilespmem:s7], [sflag:$0x2] =	stream.indirect_vreg.gather [hbm4b:s0+s6], $0x80, v4, vm0, $0xb8;
	[tilespmem:$0x18080] =	vst v63  }
0xe3: {  	s8 =	simm.s32 $0x15880;
	v3 =	vadd.s32 v1, v3  }
0xe4: {  	[tilespmem:s8], [sflag:$0x2] =	stream.indirect_vreg.gather [hbm4b:s9+s6], $0x80, v4, vm0, $0xb8;
	[tilespmem:$0x18080] =	vst v63  }
0xe5: {  	s21 =	simm.s32 $0x16080  }
0xe6: {  	[tilespmem:s21], [sflag:$0x2] =	stream.indirect_vreg.gather [hbm4b:s10+s6], $0x80, v4, vm0, $0xb8;
	[tilespmem:$0x18080] =	vst v63  }
0xe7: {  	s30 =	simm.s32 $0x16880  }
0xe8: {  	[tilespmem:s30], [sflag:$0x2] =	stream.indirect_vreg.gather [hbm4b:s0+s6], $0x80, v3, vm0, $0xb8;
	[tilespmem:$0x18080] =	vst v63  }
0xe9: {  	s31 =	simm.s32 $0x17080  }
0xea: {  	[tilespmem:s31], [sflag:$0x2] =	stream.indirect_vreg.gather [hbm4b:s9+s6], $0x80, v3, vm0, $0xb8;
	[tilespmem:$0x18080] =	vst v63  }
0xeb: {  	s0 =	simm.s32 $0x17880  }
0xec: {  	[tilespmem:s0], [sflag:$0x2] =	stream.indirect_vreg.gather [hbm4b:s10+s6], $0x80, v3, vm0, $0xb8;
	[tilespmem:$0x18080] =	vst v63  }
0xed: {  	_ =	swait.ge [sflag:s22], $0xC000  }
0xee: {  	[sflag:s22] =	ssyncset.done $0x0  }
0xef: {  	s2 =	rddreg [dreg:$0xf];
	[sflag:s22] =	ssyncadd.s32 $0xFFFF4000  }
0xf0: {  	[hbm4b:s2+s6] =	stream.linear.scatter [tilespmem:s23], [sflag:$0x3], $0xC000, $0x38;
	[tilespmem:$0x18080] =	vst v63  }
0xf1: {  	s30 =	rddreg [dreg:$0x10]  }
0xf2: {  	[hbm4b:s30+s6] =	stream.linear.scatter [tilespmem:s23], [sflag:$0x3], $0xC000, $0x38;
	[tilespmem:$0x18080] =	vst v63  }
0xf3: {  	_ =	swait.ge [sflag:s24], $0xC000  }
0xf4: {  	[sflag:s24] =	ssyncset.done $0x0  }
0xf5: {  	[sflag:s24] =	ssyncadd.s32 $0xFFFF4000  }
0xf6: {  	_ =	swait.ge [sflag:s24], $0xC000  }
0xf7: {  	[sflag:s24] =	ssyncset.done $0x0  }
0xf8: {  	[sflag:s24] =	ssyncadd.s32 $0xFFFF4000  }
0xf9: {  	v3 =	vld [tilespmem:$0x0];
	_ =	sdelay $0x4  }
0xfa: {  	v24 =	vshrl.u32 v3, $0x3  }
0xfb: {  	v4 =	vmul.u32 $0x30, v24  }
0xfc: {  	v3 =	vand.u32 $0x7, v3  }
0xfd: {  	v3 =	vor.u32 v3, v4  }
0xfe: {  	v4 =	vperm.xlane v3, v0;
	_ =	sdelay $0x1  }
0xff: {  	v4 =	vadd.s32 v1, v4;
	_ =	sdelay $0x3  }
0x100: {  	s2 =	rddreg [dreg:$0x2];
	v3 =	vperm.xlane v3, v2  }
0x101: {  	[tilespmem:s23], [sflag:$0x1] =	stream.indirect_vreg.gather [hbm4b:s2+s6], $0x80, v4, vm0, $0xb8;
	[tilespmem:$0x18080] =	vst v63  }
0x102: {  	s21 =	simm.s32 $0x880;
	v3 =	vadd.s32 v1, v3  }
0x103: {  	[tilespmem:s21], [sflag:$0x1] =	stream.indirect_vreg.gather [hbm4b:s11+s6], $0x80, v4, vm0, $0xb8;
	[tilespmem:$0x18080] =	vst v63  }
0x104: {  	s8 =	simm.s32 $0x1080  }
0x105: {  	[tilespmem:s8], [sflag:$0x1] =	stream.indirect_vreg.gather [hbm4b:s12+s6], $0x80, v4, vm0, $0xb8;
	[tilespmem:$0x18080] =	vst v63  }
0x106: {  	s31 =	simm.s32 $0x1880  }
0x107: {  	[tilespmem:s31], [sflag:$0x1] =	stream.indirect_vreg.gather [hbm4b:s2+s6], $0x80, v3, vm0, $0xb8;
	[tilespmem:$0x18080] =	vst v63  }
0x108: {  	s0 =	simm.s32 $0x2080  }
0x109: {  	[tilespmem:s0], [sflag:$0x1] =	stream.indirect_vreg.gather [hbm4b:s11+s6], $0x80, v3, vm0, $0xb8;
	[tilespmem:$0x18080] =	vst v63  }
0x10a: {  	s1 =	simm.s32 $0x2880  }
0x10b: {  	[tilespmem:s1], [sflag:$0x1] =	stream.indirect_vreg.gather [hbm4b:s12+s6], $0x80, v3, vm0, $0xb8;
	[tilespmem:$0x18080] =	vst v63  }
0x10c: {  	v3 =	vld [tilespmem:$0x10];
	_ =	sdelay $0x4  }
0x10d: {  	v25 =	vshrl.u32 v3, $0x3  }
0x10e: {  	v4 =	vmul.u32 $0x30, v25  }
0x10f: {  	v3 =	vand.u32 $0x7, v3  }
0x110: {  	v3 =	vor.u32 v3, v4  }
0x111: {  	v4 =	vperm.xlane v3, v0;
	_ =	sdelay $0x1  }
0x112: {  	v4 =	vadd.s32 v1, v4;
	_ =	sdelay $0x3  }
0x113: {  	s3 =	simm.s32 $0x3080;
	v3 =	vperm.xlane v3, v2  }
0x114: {  	[tilespmem:s3], [sflag:$0x1] =	stream.indirect_vreg.gather [hbm4b:s2+s6], $0x80, v4, vm0, $0xb8;
	[tilespmem:$0x18080] =	vst v63  }
0x115: {  	s1 =	simm.s32 $0x3880;
	v3 =	vadd.s32 v1, v3  }
0x116: {  	[tilespmem:s1], [sflag:$0x1] =	stream.indirect_vreg.gather [hbm4b:s11+s6], $0x80, v4, vm0, $0xb8;
	[tilespmem:$0x18080] =	vst v63  }
0x117: {  	s7 =	simm.s32 $0x4080  }
0x118: {  	[tilespmem:s7], [sflag:$0x1] =	stream.indirect_vreg.gather [hbm4b:s12+s6], $0x80, v4, vm0, $0xb8;
	[tilespmem:$0x18080] =	vst v63  }
0x119: {  	s29 =	simm.s32 $0x4880  }
0x11a: {  	[tilespmem:s29], [sflag:$0x1] =	stream.indirect_vreg.gather [hbm4b:s2+s6], $0x80, v3, vm0, $0xb8;
	[tilespmem:$0x18080] =	vst v63  }
0x11b: {  	s3 =	simm.s32 $0x5080  }
0x11c: {  	[tilespmem:s3], [sflag:$0x1] =	stream.indirect_vreg.gather [hbm4b:s11+s6], $0x80, v3, vm0, $0xb8;
	[tilespmem:$0x18080] =	vst v63  }
0x11d: {  	s4 =	simm.s32 $0x5880  }
0x11e: {  	[tilespmem:s4], [sflag:$0x1] =	stream.indirect_vreg.gather [hbm4b:s12+s6], $0x80, v3, vm0, $0xb8;
	[tilespmem:$0x18080] =	vst v63  }
0x11f: {  	v3 =	vld [tilespmem:$0x20];
	_ =	sdelay $0x4  }
0x120: {  	v26 =	vshrl.u32 v3, $0x3  }
0x121: {  	v4 =	vmul.u32 $0x30, v26  }
0x122: {  	v3 =	vand.u32 $0x7, v3  }
0x123: {  	v3 =	vor.u32 v3, v4  }
0x124: {  	v4 =	vperm.xlane v3, v0;
	_ =	sdelay $0x1  }
0x125: {  	v4 =	vadd.s32 v1, v4;
	_ =	sdelay $0x3  }
0x126: {  	s5 =	simm.s32 $0x6080;
	v3 =	vperm.xlane v3, v2  }
0x127: {  	[tilespmem:s5], [sflag:$0x1] =	stream.indirect_vreg.gather [hbm4b:s2+s6], $0x80, v4, vm0, $0xb8;
	[tilespmem:$0x18080] =	vst v63  }
0x128: {  	s4 =	simm.s32 $0x6880;
	v3 =	vadd.s32 v1, v3  }
0x129: {  	[tilespmem:s4], [sflag:$0x1] =	stream.indirect_vreg.gather [hbm4b:s11+s6], $0x80, v4, vm0, $0xb8;
	[tilespmem:$0x18080] =	vst v63  }
0x12a: {  	s5 =	simm.s32 $0x7080  }
0x12b: {  	[tilespmem:s5], [sflag:$0x1] =	stream.indirect_vreg.gather [hbm4b:s12+s6], $0x80, v4, vm0, $0xb8;
	[tilespmem:$0x18080] =	vst v63  }
0x12c: {  	s7 =	simm.s32 $0x7880  }
0x12d: {  	[tilespmem:s7], [sflag:$0x1] =	stream.indirect_vreg.gather [hbm4b:s2+s6], $0x80, v3, vm0, $0xb8;
	[tilespmem:$0x18080] =	vst v63  }
0x12e: {  	s30 =	simm.s32 $0x8080  }
0x12f: {  	[tilespmem:s30], [sflag:$0x1] =	stream.indirect_vreg.gather [hbm4b:s11+s6], $0x80, v3, vm0, $0xb8;
	[tilespmem:$0x18080] =	vst v63  }
0x130: {  	s30 =	simm.s32 $0x8880  }
0x131: {  	[tilespmem:s30], [sflag:$0x1] =	stream.indirect_vreg.gather [hbm4b:s12+s6], $0x80, v3, vm0, $0xb8;
	[tilespmem:$0x18080] =	vst v63  }
0x132: {  	v3 =	vld [tilespmem:$0x30];
	_ =	sdelay $0x4  }
0x133: {  	v27 =	vshrl.u32 v3, $0x3  }
0x134: {  	v4 =	vmul.u32 $0x30, v27  }
0x135: {  	v3 =	vand.u32 $0x7, v3  }
0x136: {  	v3 =	vor.u32 v3, v4  }
0x137: {  	v4 =	vperm.xlane v3, v0;
	_ =	sdelay $0x1  }
0x138: {  	v4 =	vadd.s32 v1, v4;
	_ =	sdelay $0x3  }
0x139: {  	s30 =	simm.s32 $0x9080;
	v3 =	vperm.xlane v3, v2  }
0x13a: {  	[tilespmem:s30], [sflag:$0x1] =	stream.indirect_vreg.gather [hbm4b:s2+s6], $0x80, v4, vm0, $0xb8;
	[tilespmem:$0x18080] =	vst v63  }
0x13b: {  	v3 =	vadd.s32 v1, v3;
	s30 =	simm.s32 $0x9880  }
0x13c: {  	[tilespmem:s30], [sflag:$0x1] =	stream.indirect_vreg.gather [hbm4b:s11+s6], $0x80, v4, vm0, $0xb8;
	[tilespmem:$0x18080] =	vst v63  }
0x13d: {  	s30 =	simm.s32 $0xA080  }
0x13e: {  	[tilespmem:s30], [sflag:$0x1] =	stream.indirect_vreg.gather [hbm4b:s12+s6], $0x80, v4, vm0, $0xb8;
	[tilespmem:$0x18080] =	vst v63  }
0x13f: {  	s30 =	simm.s32 $0xA880  }
0x140: {  	[tilespmem:s30], [sflag:$0x1] =	stream.indirect_vreg.gather [hbm4b:s2+s6], $0x80, v3, vm0, $0xb8;
	[tilespmem:$0x18080] =	vst v63  }
0x141: {  	s30 =	simm.s32 $0xB080  }
0x142: {  	[tilespmem:s30], [sflag:$0x1] =	stream.indirect_vreg.gather [hbm4b:s11+s6], $0x80, v3, vm0, $0xb8;
	[tilespmem:$0x18080] =	vst v63  }
0x143: {  	s30 =	simm.s32 $0xB880  }
0x144: {  	[tilespmem:s30], [sflag:$0x1] =	stream.indirect_vreg.gather [hbm4b:s12+s6], $0x80, v3, vm0, $0xb8;
	[tilespmem:$0x18080] =	vst v63  }
0x145: {  	_ =	swait.ge [sflag:s25], $0xC000  }
0x146: {  	[sflag:s25] =	ssyncset.done $0x0  }
0x147: {  	s29 =	rddreg [dreg:$0x11];
	[sflag:s25] =	ssyncadd.s32 $0xFFFF4000  }
0x148: {  	[hbm4b:s29+s6] =	stream.linear.scatter [tilespmem:s28], [sflag:$0x4], $0xC000, $0x38;
	[tilespmem:$0x18080] =	vst v63  }
0x149: {  	s30 =	rddreg [dreg:$0x12]  }
0x14a: {  	[hbm4b:s30+s6] =	stream.linear.scatter [tilespmem:s28], [sflag:$0x4], $0xC000, $0x38;
	[tilespmem:$0x18080] =	vst v63  }
0x14b: {  	_ =	swait.ge [sflag:s26], $0xC000  }
0x14c: {  	[sflag:s26] =	ssyncset.done $0x0  }
0x14d: {  	[sflag:s26] =	ssyncadd.s32 $0xFFFF4000  }
0x14e: {  	_ =	swait.ge [sflag:s26], $0xC000  }
0x14f: {  	[sflag:s26] =	ssyncset.done $0x0  }
0x150: {  	[sflag:s26] =	ssyncadd.s32 $0xFFFF4000  }
0x151: {  	v3 =	vld [tilespmem:$0x40];
	_ =	sdelay $0x4  }
0x152: {  	v28 =	vshrl.u32 v3, $0x3  }
0x153: {  	v4 =	vmul.u32 $0x30, v28  }
0x154: {  	v3 =	vand.u32 $0x7, v3  }
0x155: {  	v3 =	vor.u32 v3, v4  }
0x156: {  	v4 =	vperm.xlane v3, v0;
	_ =	sdelay $0x1  }
0x157: {  	v4 =	vadd.s32 v1, v4;
	_ =	sdelay $0x3  }
0x158: {  	v3 =	vperm.xlane v3, v2  }
0x159: {  	[tilespmem:s28], [sflag:$0x2] =	stream.indirect_vreg.gather [hbm4b:s2+s6], $0x80, v4, vm0, $0xb8;
	[tilespmem:$0x18080] =	vst v63  }
0x15a: {  	s30 =	simm.s32 $0xC880;
	v3 =	vadd.s32 v1, v3  }
0x15b: {  	[tilespmem:s30], [sflag:$0x2] =	stream.indirect_vreg.gather [hbm4b:s11+s6], $0x80, v4, vm0, $0xb8;
	[tilespmem:$0x18080] =	vst v63  }
0x15c: {  	s30 =	simm.s32 $0xD080  }
0x15d: {  	[tilespmem:s30], [sflag:$0x2] =	stream.indirect_vreg.gather [hbm4b:s12+s6], $0x80, v4, vm0, $0xb8;
	[tilespmem:$0x18080] =	vst v63  }
0x15e: {  	s30 =	simm.s32 $0xD880  }
0x15f: {  	[tilespmem:s30], [sflag:$0x2] =	stream.indirect_vreg.gather [hbm4b:s2+s6], $0x80, v3, vm0, $0xb8;
	[tilespmem:$0x18080] =	vst v63  }
0x160: {  	s30 =	simm.s32 $0xE080  }
0x161: {  	[tilespmem:s30], [sflag:$0x2] =	stream.indirect_vreg.gather [hbm4b:s11+s6], $0x80, v3, vm0, $0xb8;
	[tilespmem:$0x18080] =	vst v63  }
0x162: {  	s30 =	simm.s32 $0xE880  }
0x163: {  	[tilespmem:s30], [sflag:$0x2] =	stream.indirect_vreg.gather [hbm4b:s12+s6], $0x80, v3, vm0, $0xb8;
	[tilespmem:$0x18080] =	vst v63  }
0x164: {  	v3 =	vld [tilespmem:$0x50];
	_ =	sdelay $0x4  }
0x165: {  	v29 =	vshrl.u32 v3, $0x3  }
0x166: {  	v4 =	vmul.u32 $0x30, v29  }
0x167: {  	v3 =	vand.u32 $0x7, v3  }
0x168: {  	v3 =	vor.u32 v3, v4  }
0x169: {  	v4 =	vperm.xlane v3, v0;
	_ =	sdelay $0x1  }
0x16a: {  	v4 =	vadd.s32 v1, v4;
	_ =	sdelay $0x3  }
0x16b: {  	s30 =	simm.s32 $0xF080;
	v3 =	vperm.xlane v3, v2  }
0x16c: {  	[tilespmem:s30], [sflag:$0x2] =	stream.indirect_vreg.gather [hbm4b:s2+s6], $0x80, v4, vm0, $0xb8;
	[tilespmem:$0x18080] =	vst v63  }
0x16d: {  	v3 =	vadd.s32 v1, v3;
	s30 =	simm.s32 $0xF880  }
0x16e: {  	[tilespmem:s30], [sflag:$0x2] =	stream.indirect_vreg.gather [hbm4b:s11+s6], $0x80, v4, vm0, $0xb8;
	[tilespmem:$0x18080] =	vst v63  }
0x16f: {  	s30 =	simm.s32 $0x10080  }
0x170: {  	[tilespmem:s30], [sflag:$0x2] =	stream.indirect_vreg.gather [hbm4b:s12+s6], $0x80, v4, vm0, $0xb8;
	[tilespmem:$0x18080] =	vst v63  }
0x171: {  	s30 =	simm.s32 $0x10880  }
0x172: {  	[tilespmem:s30], [sflag:$0x2] =	stream.indirect_vreg.gather [hbm4b:s2+s6], $0x80, v3, vm0, $0xb8;
	[tilespmem:$0x18080] =	vst v63  }
0x173: {  	s30 =	simm.s32 $0x11080  }
0x174: {  	[tilespmem:s30], [sflag:$0x2] =	stream.indirect_vreg.gather [hbm4b:s11+s6], $0x80, v3, vm0, $0xb8;
	[tilespmem:$0x18080] =	vst v63  }
0x175: {  	s30 =	simm.s32 $0x11880  }
0x176: {  	[tilespmem:s30], [sflag:$0x2] =	stream.indirect_vreg.gather [hbm4b:s12+s6], $0x80, v3, vm0, $0xb8;
	[tilespmem:$0x18080] =	vst v63  }
0x177: {  	v3 =	vld [tilespmem:$0x60];
	_ =	sdelay $0x4  }
0x178: {  	v30 =	vshrl.u32 v3, $0x3  }
0x179: {  	v4 =	vmul.u32 $0x30, v30  }
0x17a: {  	v3 =	vand.u32 $0x7, v3  }
0x17b: {  	v3 =	vor.u32 v3, v4  }
0x17c: {  	v4 =	vperm.xlane v3, v0;
	_ =	sdelay $0x1  }
0x17d: {  	v4 =	vadd.s32 v1, v4;
	_ =	sdelay $0x3  }
0x17e: {  	s30 =	simm.s32 $0x12080;
	v3 =	vperm.xlane v3, v2  }
0x17f: {  	[tilespmem:s30], [sflag:$0x2] =	stream.indirect_vreg.gather [hbm4b:s2+s6], $0x80, v4, vm0, $0xb8;
	[tilespmem:$0x18080] =	vst v63  }
0x180: {  	v3 =	vadd.s32 v1, v3;
	s30 =	simm.s32 $0x12880  }
0x181: {  	[tilespmem:s30], [sflag:$0x2] =	stream.indirect_vreg.gather [hbm4b:s11+s6], $0x80, v4, vm0, $0xb8;
	[tilespmem:$0x18080] =	vst v63  }
0x182: {  	s30 =	simm.s32 $0x13080  }
0x183: {  	[tilespmem:s30], [sflag:$0x2] =	stream.indirect_vreg.gather [hbm4b:s12+s6], $0x80, v4, vm0, $0xb8;
	[tilespmem:$0x18080] =	vst v63  }
0x184: {  	s30 =	simm.s32 $0x13880  }
0x185: {  	[tilespmem:s30], [sflag:$0x2] =	stream.indirect_vreg.gather [hbm4b:s2+s6], $0x80, v3, vm0, $0xb8;
	[tilespmem:$0x18080] =	vst v63  }
0x186: {  	s30 =	simm.s32 $0x14080  }
0x187: {  	[tilespmem:s30], [sflag:$0x2] =	stream.indirect_vreg.gather [hbm4b:s11+s6], $0x80, v3, vm0, $0xb8;
	[tilespmem:$0x18080] =	vst v63  }
0x188: {  	s30 =	simm.s32 $0x14880  }
0x189: {  	[tilespmem:s30], [sflag:$0x2] =	stream.indirect_vreg.gather [hbm4b:s12+s6], $0x80, v3, vm0, $0xb8;
	[tilespmem:$0x18080] =	vst v63  }
0x18a: {  	v3 =	vld [tilespmem:$0x70];
	_ =	sdelay $0x4  }
0x18b: {  	v31 =	vshrl.u32 v3, $0x3  }
0x18c: {  	v4 =	vmul.u32 $0x30, v31  }
0x18d: {  	v3 =	vand.u32 $0x7, v3  }
0x18e: {  	v3 =	vor.u32 v3, v4  }
0x18f: {  	v4 =	vperm.xlane v3, v0;
	_ =	sdelay $0x1  }
0x190: {  	v4 =	vadd.s32 v1, v4;
	_ =	sdelay $0x3  }
0x191: {  	s30 =	simm.s32 $0x15080;
	v3 =	vperm.xlane v3, v2  }
0x192: {  	[tilespmem:s30], [sflag:$0x2] =	stream.indirect_vreg.gather [hbm4b:s2+s6], $0x80, v4, vm0, $0xb8;
	[tilespmem:$0x18080] =	vst v63  }
0x193: {  	v3 =	vadd.s32 v1, v3;
	s30 =	simm.s32 $0x15880  }
0x194: {  	[tilespmem:s30], [sflag:$0x2] =	stream.indirect_vreg.gather [hbm4b:s11+s6], $0x80, v4, vm0, $0xb8;
	[tilespmem:$0x18080] =	vst v63  }
0x195: {  	s30 =	simm.s32 $0x16080  }
0x196: {  	[tilespmem:s30], [sflag:$0x2] =	stream.indirect_vreg.gather [hbm4b:s12+s6], $0x80, v4, vm0, $0xb8;
	[tilespmem:$0x18080] =	vst v63  }
0x197: {  	s30 =	simm.s32 $0x16880  }
0x198: {  	[tilespmem:s30], [sflag:$0x2] =	stream.indirect_vreg.gather [hbm4b:s2+s6], $0x80, v3, vm0, $0xb8;
	[tilespmem:$0x18080] =	vst v63  }
0x199: {  	s29 =	simm.s32 $0x17080  }
0x19a: {  	[tilespmem:s29], [sflag:$0x2] =	stream.indirect_vreg.gather [hbm4b:s11+s6], $0x80, v3, vm0, $0xb8;
	[tilespmem:$0x18080] =	vst v63  }
0x19b: {  	s30 =	simm.s32 $0x17880  }
0x19c: {  	[tilespmem:s30], [sflag:$0x2] =	stream.indirect_vreg.gather [hbm4b:s12+s6], $0x80, v3, vm0, $0xb8;
	[tilespmem:$0x18080] =	vst v63  }
0x19d: {  	_ =	swait.ge [sflag:s22], $0xC000  }
0x19e: {  	[sflag:s22] =	ssyncset.done $0x0  }
0x19f: {  	s29 =	rddreg [dreg:$0x13];
	[sflag:s22] =	ssyncadd.s32 $0xFFFF4000  }
0x1a0: {  	[hbm4b:s29+s6] =	stream.linear.scatter [tilespmem:s23], [sflag:$0x3], $0xC000, $0x38;
	[tilespmem:$0x18080] =	vst v63  }
0x1a1: {  	s2 =	rddreg [dreg:$0x14]  }
0x1a2: {  	[hbm4b:s2+s6] =	stream.linear.scatter [tilespmem:s23], [sflag:$0x3], $0xC000, $0x38;
	[tilespmem:$0x18080] =	vst v63  }
0x1a3: {  	_ =	swait.ge [sflag:s24], $0xC000  }
0x1a4: {  	[sflag:s24] =	ssyncset.done $0x0  }
0x1a5: {  	[sflag:s24] =	ssyncadd.s32 $0xFFFF4000  }
0x1a6: {  	_ =	swait.ge [sflag:s24], $0xC000  }
0x1a7: {  	[sflag:s24] =	ssyncset.done $0x0  }
0x1a8: {  	[sflag:s24] =	ssyncadd.s32 $0xFFFF4000  }
0x1a9: {  	v3 =	vld [tilespmem:$0x0];
	_ =	sdelay $0x4  }
0x1aa: {  	v32 =	vshrl.u32 v3, $0x3  }
0x1ab: {  	v4 =	vmul.u32 $0x30, v32  }
0x1ac: {  	v3 =	vand.u32 $0x7, v3  }
0x1ad: {  	v3 =	vor.u32 v3, v4  }
0x1ae: {  	v4 =	vperm.xlane v3, v0;
	_ =	sdelay $0x1  }
0x1af: {  	v4 =	vadd.s32 v1, v4;
	_ =	sdelay $0x3  }
0x1b0: {  	s2 =	rddreg [dreg:$0x3];
	v3 =	vperm.xlane v3, v2  }
0x1b1: {  	[tilespmem:s23], [sflag:$0x1] =	stream.indirect_vreg.gather [hbm4b:s2+s6], $0x80, v4, vm0, $0xb8;
	[tilespmem:$0x18080] =	vst v63  }
0x1b2: {  	v3 =	vadd.s32 v1, v3  }
0x1b3: {  	[tilespmem:s21], [sflag:$0x1] =	stream.indirect_vreg.gather [hbm4b:s13+s6], $0x80, v4, vm0, $0xb8;
	[tilespmem:$0x18080] =	vst v63  }
0x1b4: {  	_ = 	snop  }
0x1b5: {  	[tilespmem:s8], [sflag:$0x1] =	stream.indirect_vreg.gather [hbm4b:s14+s6], $0x80, v4, vm0, $0xb8;
	[tilespmem:$0x18080] =	vst v63  }
0x1b6: {  	_ = 	snop  }
0x1b7: {  	[tilespmem:s31], [sflag:$0x1] =	stream.indirect_vreg.gather [hbm4b:s2+s6], $0x80, v3, vm0, $0xb8;
	[tilespmem:$0x18080] =	vst v63  }
0x1b8: {  	_ = 	snop  }
0x1b9: {  	[tilespmem:s0], [sflag:$0x1] =	stream.indirect_vreg.gather [hbm4b:s13+s6], $0x80, v3, vm0, $0xb8;
	[tilespmem:$0x18080] =	vst v63  }
0x1ba: {  	s30 =	simm.s32 $0x2880  }
0x1bb: {  	[tilespmem:s30], [sflag:$0x1] =	stream.indirect_vreg.gather [hbm4b:s14+s6], $0x80, v3, vm0, $0xb8;
	[tilespmem:$0x18080] =	vst v63  }
0x1bc: {  	v3 =	vld [tilespmem:$0x10];
	_ =	sdelay $0x4  }
0x1bd: {  	v33 =	vshrl.u32 v3, $0x3  }
0x1be: {  	v4 =	vmul.u32 $0x30, v33  }
0x1bf: {  	v3 =	vand.u32 $0x7, v3  }
0x1c0: {  	v3 =	vor.u32 v3, v4  }
0x1c1: {  	v4 =	vperm.xlane v3, v0;
	_ =	sdelay $0x1  }
0x1c2: {  	v4 =	vadd.s32 v1, v4;
	_ =	sdelay $0x3  }
0x1c3: {  	s30 =	simm.s32 $0x3080;
	v3 =	vperm.xlane v3, v2  }
0x1c4: {  	[tilespmem:s30], [sflag:$0x1] =	stream.indirect_vreg.gather [hbm4b:s2+s6], $0x80, v4, vm0, $0xb8;
	[tilespmem:$0x18080] =	vst v63  }
0x1c5: {  	v3 =	vadd.s32 v1, v3  }
0x1c6: {  	[tilespmem:s1], [sflag:$0x1] =	stream.indirect_vreg.gather [hbm4b:s13+s6], $0x80, v4, vm0, $0xb8;
	[tilespmem:$0x18080] =	vst v63  }
0x1c7: {  	s30 =	simm.s32 $0x4080  }
0x1c8: {  	[tilespmem:s30], [sflag:$0x1] =	stream.indirect_vreg.gather [hbm4b:s14+s6], $0x80, v4, vm0, $0xb8;
	[tilespmem:$0x18080] =	vst v63  }
0x1c9: {  	s30 =	simm.s32 $0x4880  }
0x1ca: {  	[tilespmem:s30], [sflag:$0x1] =	stream.indirect_vreg.gather [hbm4b:s2+s6], $0x80, v3, vm0, $0xb8;
	[tilespmem:$0x18080] =	vst v63  }
0x1cb: {  	_ = 	snop  }
0x1cc: {  	[tilespmem:s3], [sflag:$0x1] =	stream.indirect_vreg.gather [hbm4b:s13+s6], $0x80, v3, vm0, $0xb8;
	[tilespmem:$0x18080] =	vst v63  }
0x1cd: {  	s29 =	simm.s32 $0x5880  }
0x1ce: {  	[tilespmem:s29], [sflag:$0x1] =	stream.indirect_vreg.gather [hbm4b:s14+s6], $0x80, v3, vm0, $0xb8;
	[tilespmem:$0x18080] =	vst v63  }
0x1cf: {  	v3 =	vld [tilespmem:$0x20];
	_ =	sdelay $0x4  }
0x1d0: {  	v34 =	vshrl.u32 v3, $0x3  }
0x1d1: {  	v4 =	vmul.u32 $0x30, v34  }
0x1d2: {  	v3 =	vand.u32 $0x7, v3  }
0x1d3: {  	v3 =	vor.u32 v3, v4  }
0x1d4: {  	v4 =	vperm.xlane v3, v0;
	_ =	sdelay $0x1  }
0x1d5: {  	v4 =	vadd.s32 v1, v4;
	_ =	sdelay $0x3  }
0x1d6: {  	s30 =	simm.s32 $0x6080;
	v3 =	vperm.xlane v3, v2  }
0x1d7: {  	[tilespmem:s30], [sflag:$0x1] =	stream.indirect_vreg.gather [hbm4b:s2+s6], $0x80, v4, vm0, $0xb8;
	[tilespmem:$0x18080] =	vst v63  }
0x1d8: {  	v3 =	vadd.s32 v1, v3  }
0x1d9: {  	[tilespmem:s4], [sflag:$0x1] =	stream.indirect_vreg.gather [hbm4b:s13+s6], $0x80, v4, vm0, $0xb8;
	[tilespmem:$0x18080] =	vst v63  }
0x1da: {  	_ = 	snop  }
0x1db: {  	[tilespmem:s5], [sflag:$0x1] =	stream.indirect_vreg.gather [hbm4b:s14+s6], $0x80, v4, vm0, $0xb8;
	[tilespmem:$0x18080] =	vst v63  }
0x1dc: {  	_ = 	snop  }
0x1dd: {  	[tilespmem:s7], [sflag:$0x1] =	stream.indirect_vreg.gather [hbm4b:s2+s6], $0x80, v3, vm0, $0xb8;
	[tilespmem:$0x18080] =	vst v63  }
0x1de: {  	s29 =	simm.s32 $0x8080  }
0x1df: {  	[tilespmem:s29], [sflag:$0x1] =	stream.indirect_vreg.gather [hbm4b:s13+s6], $0x80, v3, vm0, $0xb8;
	[tilespmem:$0x18080] =	vst v63  }
0x1e0: {  	s30 =	simm.s32 $0x8880  }
0x1e1: {  	[tilespmem:s30], [sflag:$0x1] =	stream.indirect_vreg.gather [hbm4b:s14+s6], $0x80, v3, vm0, $0xb8;
	[tilespmem:$0x18080] =	vst v63  }
0x1e2: {  	v3 =	vld [tilespmem:$0x30];
	_ =	sdelay $0x4  }
0x1e3: {  	v35 =	vshrl.u32 v3, $0x3  }
0x1e4: {  	v4 =	vmul.u32 $0x30, v35  }
0x1e5: {  	v3 =	vand.u32 $0x7, v3  }
0x1e6: {  	v3 =	vor.u32 v3, v4  }
0x1e7: {  	v4 =	vperm.xlane v3, v0;
	_ =	sdelay $0x1  }
0x1e8: {  	v4 =	vadd.s32 v1, v4;
	_ =	sdelay $0x3  }
0x1e9: {  	s29 =	simm.s32 $0x9080;
	v3 =	vperm.xlane v3, v2  }
0x1ea: {  	[tilespmem:s29], [sflag:$0x1] =	stream.indirect_vreg.gather [hbm4b:s2+s6], $0x80, v4, vm0, $0xb8;
	[tilespmem:$0x18080] =	vst v63  }
0x1eb: {  	s30 =	simm.s32 $0x9880;
	v3 =	vadd.s32 v1, v3  }
0x1ec: {  	[tilespmem:s30], [sflag:$0x1] =	stream.indirect_vreg.gather [hbm4b:s13+s6], $0x80, v4, vm0, $0xb8;
	[tilespmem:$0x18080] =	vst v63  }
0x1ed: {  	s29 =	simm.s32 $0xA080  }
0x1ee: {  	[tilespmem:s29], [sflag:$0x1] =	stream.indirect_vreg.gather [hbm4b:s14+s6], $0x80, v4, vm0, $0xb8;
	[tilespmem:$0x18080] =	vst v63  }
0x1ef: {  	s30 =	simm.s32 $0xA880  }
0x1f0: {  	[tilespmem:s30], [sflag:$0x1] =	stream.indirect_vreg.gather [hbm4b:s2+s6], $0x80, v3, vm0, $0xb8;
	[tilespmem:$0x18080] =	vst v63  }
0x1f1: {  	s29 =	simm.s32 $0xB080  }
0x1f2: {  	[tilespmem:s29], [sflag:$0x1] =	stream.indirect_vreg.gather [hbm4b:s13+s6], $0x80, v3, vm0, $0xb8;
	[tilespmem:$0x18080] =	vst v63  }
0x1f3: {  	s30 =	simm.s32 $0xB880  }
0x1f4: {  	[tilespmem:s30], [sflag:$0x1] =	stream.indirect_vreg.gather [hbm4b:s14+s6], $0x80, v3, vm0, $0xb8;
	[tilespmem:$0x18080] =	vst v63  }
0x1f5: {  	_ =	swait.ge [sflag:s25], $0xC000  }
0x1f6: {  	[sflag:s25] =	ssyncset.done $0x0  }
0x1f7: {  	s29 =	rddreg [dreg:$0x15];
	[sflag:s25] =	ssyncadd.s32 $0xFFFF4000  }
0x1f8: {  	[hbm4b:s29+s6] =	stream.linear.scatter [tilespmem:s28], [sflag:$0x4], $0xC000, $0x38;
	[tilespmem:$0x18080] =	vst v63  }
0x1f9: {  	s3 =	rddreg [dreg:$0x16]  }
0x1fa: {  	[hbm4b:s3+s6] =	stream.linear.scatter [tilespmem:s28], [sflag:$0x4], $0xC000, $0x38;
	[tilespmem:$0x18080] =	vst v63  }
0x1fb: {  	_ =	swait.ge [sflag:s26], $0xC000  }
0x1fc: {  	[sflag:s26] =	ssyncset.done $0x0  }
0x1fd: {  	[sflag:s26] =	ssyncadd.s32 $0xFFFF4000  }
0x1fe: {  	_ =	swait.ge [sflag:s26], $0xC000  }
0x1ff: {  	[sflag:s26] =	ssyncset.done $0x0  }
0x200: {  	[sflag:s26] =	ssyncadd.s32 $0xFFFF4000  }
0x201: {  	v3 =	vld [tilespmem:$0x40];
	_ =	sdelay $0x4  }
0x202: {  	v36 =	vshrl.u32 v3, $0x3  }
0x203: {  	v4 =	vmul.u32 $0x30, v36  }
0x204: {  	v3 =	vand.u32 $0x7, v3  }
0x205: {  	v3 =	vor.u32 v3, v4  }
0x206: {  	v4 =	vperm.xlane v3, v0;
	_ =	sdelay $0x1  }
0x207: {  	v4 =	vadd.s32 v1, v4;
	_ =	sdelay $0x3  }
0x208: {  	v3 =	vperm.xlane v3, v2  }
0x209: {  	[tilespmem:s28], [sflag:$0x2] =	stream.indirect_vreg.gather [hbm4b:s2+s6], $0x80, v4, vm0, $0xb8;
	[tilespmem:$0x18080] =	vst v63  }
0x20a: {  	s30 =	simm.s32 $0xC880;
	v3 =	vadd.s32 v1, v3  }
0x20b: {  	[tilespmem:s30], [sflag:$0x2] =	stream.indirect_vreg.gather [hbm4b:s13+s6], $0x80, v4, vm0, $0xb8;
	[tilespmem:$0x18080] =	vst v63  }
0x20c: {  	s29 =	simm.s32 $0xD080  }
0x20d: {  	[tilespmem:s29], [sflag:$0x2] =	stream.indirect_vreg.gather [hbm4b:s14+s6], $0x80, v4, vm0, $0xb8;
	[tilespmem:$0x18080] =	vst v63  }
0x20e: {  	s30 =	simm.s32 $0xD880  }
0x20f: {  	[tilespmem:s30], [sflag:$0x2] =	stream.indirect_vreg.gather [hbm4b:s2+s6], $0x80, v3, vm0, $0xb8;
	[tilespmem:$0x18080] =	vst v63  }
0x210: {  	s29 =	simm.s32 $0xE080  }
0x211: {  	[tilespmem:s29], [sflag:$0x2] =	stream.indirect_vreg.gather [hbm4b:s13+s6], $0x80, v3, vm0, $0xb8;
	[tilespmem:$0x18080] =	vst v63  }
0x212: {  	s30 =	simm.s32 $0xE880  }
0x213: {  	[tilespmem:s30], [sflag:$0x2] =	stream.indirect_vreg.gather [hbm4b:s14+s6], $0x80, v3, vm0, $0xb8;
	[tilespmem:$0x18080] =	vst v63  }
0x214: {  	v3 =	vld [tilespmem:$0x50];
	_ =	sdelay $0x4  }
0x215: {  	v37 =	vshrl.u32 v3, $0x3  }
0x216: {  	v4 =	vmul.u32 $0x30, v37  }
0x217: {  	v3 =	vand.u32 $0x7, v3  }
0x218: {  	v3 =	vor.u32 v3, v4  }
0x219: {  	v4 =	vperm.xlane v3, v0;
	_ =	sdelay $0x1  }
0x21a: {  	v4 =	vadd.s32 v1, v4;
	_ =	sdelay $0x3  }
0x21b: {  	s29 =	simm.s32 $0xF080;
	v3 =	vperm.xlane v3, v2  }
0x21c: {  	[tilespmem:s29], [sflag:$0x2] =	stream.indirect_vreg.gather [hbm4b:s2+s6], $0x80, v4, vm0, $0xb8;
	[tilespmem:$0x18080] =	vst v63  }
0x21d: {  	s30 =	simm.s32 $0xF880;
	v3 =	vadd.s32 v1, v3  }
0x21e: {  	[tilespmem:s30], [sflag:$0x2] =	stream.indirect_vreg.gather [hbm4b:s13+s6], $0x80, v4, vm0, $0xb8;
	[tilespmem:$0x18080] =	vst v63  }
0x21f: {  	s29 =	simm.s32 $0x10080  }
0x220: {  	[tilespmem:s29], [sflag:$0x2] =	stream.indirect_vreg.gather [hbm4b:s14+s6], $0x80, v4, vm0, $0xb8;
	[tilespmem:$0x18080] =	vst v63  }
0x221: {  	s30 =	simm.s32 $0x10880  }
0x222: {  	[tilespmem:s30], [sflag:$0x2] =	stream.indirect_vreg.gather [hbm4b:s2+s6], $0x80, v3, vm0, $0xb8;
	[tilespmem:$0x18080] =	vst v63  }
0x223: {  	s29 =	simm.s32 $0x11080  }
0x224: {  	[tilespmem:s29], [sflag:$0x2] =	stream.indirect_vreg.gather [hbm4b:s13+s6], $0x80, v3, vm0, $0xb8;
	[tilespmem:$0x18080] =	vst v63  }
0x225: {  	s30 =	simm.s32 $0x11880  }
0x226: {  	[tilespmem:s30], [sflag:$0x2] =	stream.indirect_vreg.gather [hbm4b:s14+s6], $0x80, v3, vm0, $0xb8;
	[tilespmem:$0x18080] =	vst v63  }
0x227: {  	v3 =	vld [tilespmem:$0x60];
	_ =	sdelay $0x4  }
0x228: {  	v38 =	vshrl.u32 v3, $0x3  }
0x229: {  	v4 =	vmul.u32 $0x30, v38  }
0x22a: {  	v3 =	vand.u32 $0x7, v3  }
0x22b: {  	v3 =	vor.u32 v3, v4  }
0x22c: {  	v4 =	vperm.xlane v3, v0;
	_ =	sdelay $0x1  }
0x22d: {  	v4 =	vadd.s32 v1, v4;
	_ =	sdelay $0x3  }
0x22e: {  	s29 =	simm.s32 $0x12080;
	v3 =	vperm.xlane v3, v2  }
0x22f: {  	[tilespmem:s29], [sflag:$0x2] =	stream.indirect_vreg.gather [hbm4b:s2+s6], $0x80, v4, vm0, $0xb8;
	[tilespmem:$0x18080] =	vst v63  }
0x230: {  	s30 =	simm.s32 $0x12880;
	v3 =	vadd.s32 v1, v3  }
0x231: {  	[tilespmem:s30], [sflag:$0x2] =	stream.indirect_vreg.gather [hbm4b:s13+s6], $0x80, v4, vm0, $0xb8;
	[tilespmem:$0x18080] =	vst v63  }
0x232: {  	s29 =	simm.s32 $0x13080  }
0x233: {  	[tilespmem:s29], [sflag:$0x2] =	stream.indirect_vreg.gather [hbm4b:s14+s6], $0x80, v4, vm0, $0xb8;
	[tilespmem:$0x18080] =	vst v63  }
0x234: {  	s30 =	simm.s32 $0x13880  }
0x235: {  	[tilespmem:s30], [sflag:$0x2] =	stream.indirect_vreg.gather [hbm4b:s2+s6], $0x80, v3, vm0, $0xb8;
	[tilespmem:$0x18080] =	vst v63  }
0x236: {  	s29 =	simm.s32 $0x14080  }
0x237: {  	[tilespmem:s29], [sflag:$0x2] =	stream.indirect_vreg.gather [hbm4b:s13+s6], $0x80, v3, vm0, $0xb8;
	[tilespmem:$0x18080] =	vst v63  }
0x238: {  	s30 =	simm.s32 $0x14880  }
0x239: {  	[tilespmem:s30], [sflag:$0x2] =	stream.indirect_vreg.gather [hbm4b:s14+s6], $0x80, v3, vm0, $0xb8;
	[tilespmem:$0x18080] =	vst v63  }
0x23a: {  	v3 =	vld [tilespmem:$0x70];
	_ =	sdelay $0x4  }
0x23b: {  	v39 =	vshrl.u32 v3, $0x3  }
0x23c: {  	v4 =	vmul.u32 $0x30, v39  }
0x23d: {  	v3 =	vand.u32 $0x7, v3  }
0x23e: {  	v3 =	vor.u32 v3, v4  }
0x23f: {  	v4 =	vperm.xlane v3, v0;
	_ =	sdelay $0x1  }
0x240: {  	v4 =	vadd.s32 v1, v4;
	_ =	sdelay $0x3  }
0x241: {  	s29 =	simm.s32 $0x15080;
	v3 =	vperm.xlane v3, v2  }
0x242: {  	[tilespmem:s29], [sflag:$0x2] =	stream.indirect_vreg.gather [hbm4b:s2+s6], $0x80, v4, vm0, $0xb8;
	[tilespmem:$0x18080] =	vst v63  }
0x243: {  	s30 =	simm.s32 $0x15880;
	v3 =	vadd.s32 v1, v3  }
0x244: {  	[tilespmem:s30], [sflag:$0x2] =	stream.indirect_vreg.gather [hbm4b:s13+s6], $0x80, v4, vm0, $0xb8;
	[tilespmem:$0x18080] =	vst v63  }
0x245: {  	s29 =	simm.s32 $0x16080  }
0x246: {  	[tilespmem:s29], [sflag:$0x2] =	stream.indirect_vreg.gather [hbm4b:s14+s6], $0x80, v4, vm0, $0xb8;
	[tilespmem:$0x18080] =	vst v63  }
0x247: {  	s30 =	simm.s32 $0x16880  }
0x248: {  	[tilespmem:s30], [sflag:$0x2] =	stream.indirect_vreg.gather [hbm4b:s2+s6], $0x80, v3, vm0, $0xb8;
	[tilespmem:$0x18080] =	vst v63  }
0x249: {  	s29 =	simm.s32 $0x17080  }
0x24a: {  	[tilespmem:s29], [sflag:$0x2] =	stream.indirect_vreg.gather [hbm4b:s13+s6], $0x80, v3, vm0, $0xb8;
	[tilespmem:$0x18080] =	vst v63  }
0x24b: {  	s30 =	simm.s32 $0x17880  }
0x24c: {  	[tilespmem:s30], [sflag:$0x2] =	stream.indirect_vreg.gather [hbm4b:s14+s6], $0x80, v3, vm0, $0xb8;
	[tilespmem:$0x18080] =	vst v63  }
0x24d: {  	_ =	swait.ge [sflag:s22], $0xC000  }
0x24e: {  	[sflag:s22] =	ssyncset.done $0x0  }
0x24f: {  	s2 =	rddreg [dreg:$0x17];
	[sflag:s22] =	ssyncadd.s32 $0xFFFF4000  }
0x250: {  	[hbm4b:s2+s6] =	stream.linear.scatter [tilespmem:s23], [sflag:$0x3], $0xC000, $0x38;
	[tilespmem:$0x18080] =	vst v63  }
0x251: {  	s3 =	rddreg [dreg:$0x18]  }
0x252: {  	[hbm4b:s3+s6] =	stream.linear.scatter [tilespmem:s23], [sflag:$0x3], $0xC000, $0x38;
	[tilespmem:$0x18080] =	vst v63  }
0x253: {  	_ =	swait.ge [sflag:s24], $0xC000  }
0x254: {  	[sflag:s24] =	ssyncset.done $0x0  }
0x255: {  	[sflag:s24] =	ssyncadd.s32 $0xFFFF4000  }
0x256: {  	_ =	swait.ge [sflag:s24], $0xC000  }
0x257: {  	[sflag:s24] =	ssyncset.done $0x0  }
0x258: {  	[sflag:s24] =	ssyncadd.s32 $0xFFFF4000  }
0x259: {  	v3 =	vld [tilespmem:$0x0];
	_ =	sdelay $0x4  }
0x25a: {  	v40 =	vshrl.u32 v3, $0x3  }
0x25b: {  	v4 =	vmul.u32 $0x30, v40  }
0x25c: {  	v3 =	vand.u32 $0x7, v3  }
0x25d: {  	v3 =	vor.u32 v3, v4  }
0x25e: {  	v4 =	vperm.xlane v3, v0;
	_ =	sdelay $0x1  }
0x25f: {  	v4 =	vadd.s32 v1, v4;
	_ =	sdelay $0x3  }
0x260: {  	s3 =	rddreg [dreg:$0x4];
	v3 =	vperm.xlane v3, v2  }
0x261: {  	[tilespmem:s23], [sflag:$0x1] =	stream.indirect_vreg.gather [hbm4b:s3+s6], $0x80, v4, vm0, $0xb8;
	[tilespmem:$0x18080] =	vst v63  }
0x262: {  	s21 =	simm.s32 $0x880;
	v3 =	vadd.s32 v1, v3  }
0x263: {  	[tilespmem:s21], [sflag:$0x1] =	stream.indirect_vreg.gather [hbm4b:s15+s6], $0x80, v4, vm0, $0xb8;
	[tilespmem:$0x18080] =	vst v63  }
0x264: {  	s8 =	simm.s32 $0x1080  }
0x265: {  	[tilespmem:s8], [sflag:$0x1] =	stream.indirect_vreg.gather [hbm4b:s16+s6], $0x80, v4, vm0, $0xb8;
	[tilespmem:$0x18080] =	vst v63  }
0x266: {  	s31 =	simm.s32 $0x1880  }
0x267: {  	[tilespmem:s31], [sflag:$0x1] =	stream.indirect_vreg.gather [hbm4b:s3+s6], $0x80, v3, vm0, $0xb8;
	[tilespmem:$0x18080] =	vst v63  }
0x268: {  	s0 =	simm.s32 $0x2080  }
0x269: {  	[tilespmem:s0], [sflag:$0x1] =	stream.indirect_vreg.gather [hbm4b:s15+s6], $0x80, v3, vm0, $0xb8;
	[tilespmem:$0x18080] =	vst v63  }
0x26a: {  	s29 =	simm.s32 $0x2880  }
0x26b: {  	[tilespmem:s29], [sflag:$0x1] =	stream.indirect_vreg.gather [hbm4b:s16+s6], $0x80, v3, vm0, $0xb8;
	[tilespmem:$0x18080] =	vst v63  }
0x26c: {  	v3 =	vld [tilespmem:$0x10];
	_ =	sdelay $0x4  }
0x26d: {  	v41 =	vshrl.u32 v3, $0x3  }
0x26e: {  	v4 =	vmul.u32 $0x30, v41  }
0x26f: {  	v3 =	vand.u32 $0x7, v3  }
0x270: {  	v3 =	vor.u32 v3, v4  }
0x271: {  	v4 =	vperm.xlane v3, v0;
	_ =	sdelay $0x1  }
0x272: {  	v4 =	vadd.s32 v1, v4;
	_ =	sdelay $0x3  }
0x273: {  	s30 =	simm.s32 $0x3080;
	v3 =	vperm.xlane v3, v2  }
0x274: {  	[tilespmem:s30], [sflag:$0x1] =	stream.indirect_vreg.gather [hbm4b:s3+s6], $0x80, v4, vm0, $0xb8;
	[tilespmem:$0x18080] =	vst v63  }
0x275: {  	s1 =	simm.s32 $0x3880;
	v3 =	vadd.s32 v1, v3  }
0x276: {  	[tilespmem:s1], [sflag:$0x1] =	stream.indirect_vreg.gather [hbm4b:s15+s6], $0x80, v4, vm0, $0xb8;
	[tilespmem:$0x18080] =	vst v63  }
0x277: {  	s31 =	simm.s32 $0x4080  }
0x278: {  	[tilespmem:s31], [sflag:$0x1] =	stream.indirect_vreg.gather [hbm4b:s16+s6], $0x80, v4, vm0, $0xb8;
	[tilespmem:$0x18080] =	vst v63  }
0x279: {  	s2 =	simm.s32 $0x4880  }
0x27a: {  	[tilespmem:s2], [sflag:$0x1] =	stream.indirect_vreg.gather [hbm4b:s3+s6], $0x80, v3, vm0, $0xb8;
	[tilespmem:$0x18080] =	vst v63  }
0x27b: {  	s1 =	simm.s32 $0x5080  }
0x27c: {  	[tilespmem:s1], [sflag:$0x1] =	stream.indirect_vreg.gather [hbm4b:s15+s6], $0x80, v3, vm0, $0xb8;
	[tilespmem:$0x18080] =	vst v63  }
0x27d: {  	s8 =	simm.s32 $0x5880  }
0x27e: {  	[tilespmem:s8], [sflag:$0x1] =	stream.indirect_vreg.gather [hbm4b:s16+s6], $0x80, v3, vm0, $0xb8;
	[tilespmem:$0x18080] =	vst v63  }
0x27f: {  	v3 =	vld [tilespmem:$0x20];
	_ =	sdelay $0x4  }
0x280: {  	v42 =	vshrl.u32 v3, $0x3  }
0x281: {  	v4 =	vmul.u32 $0x30, v42  }
0x282: {  	v3 =	vand.u32 $0x7, v3  }
0x283: {  	v3 =	vor.u32 v3, v4  }
0x284: {  	v4 =	vperm.xlane v3, v0;
	_ =	sdelay $0x1  }
0x285: {  	v4 =	vadd.s32 v1, v4;
	_ =	sdelay $0x3  }
0x286: {  	s21 =	simm.s32 $0x6080;
	v3 =	vperm.xlane v3, v2  }
0x287: {  	[tilespmem:s21], [sflag:$0x1] =	stream.indirect_vreg.gather [hbm4b:s3+s6], $0x80, v4, vm0, $0xb8;
	[tilespmem:$0x18080] =	vst v63  }
0x288: {  	s4 =	simm.s32 $0x6880;
	v3 =	vadd.s32 v1, v3  }
0x289: {  	[tilespmem:s4], [sflag:$0x1] =	stream.indirect_vreg.gather [hbm4b:s15+s6], $0x80, v4, vm0, $0xb8;
	[tilespmem:$0x18080] =	vst v63  }
0x28a: {  	s5 =	simm.s32 $0x7080  }
0x28b: {  	[tilespmem:s5], [sflag:$0x1] =	stream.indirect_vreg.gather [hbm4b:s16+s6], $0x80, v4, vm0, $0xb8;
	[tilespmem:$0x18080] =	vst v63  }
0x28c: {  	s7 =	simm.s32 $0x7880  }
0x28d: {  	[tilespmem:s7], [sflag:$0x1] =	stream.indirect_vreg.gather [hbm4b:s3+s6], $0x80, v3, vm0, $0xb8;
	[tilespmem:$0x18080] =	vst v63  }
0x28e: {  	s1 =	simm.s32 $0x8080  }
0x28f: {  	[tilespmem:s1], [sflag:$0x1] =	stream.indirect_vreg.gather [hbm4b:s15+s6], $0x80, v3, vm0, $0xb8;
	[tilespmem:$0x18080] =	vst v63  }
0x290: {  	s29 =	simm.s32 $0x8880  }
0x291: {  	[tilespmem:s29], [sflag:$0x1] =	stream.indirect_vreg.gather [hbm4b:s16+s6], $0x80, v3, vm0, $0xb8;
	[tilespmem:$0x18080] =	vst v63  }
0x292: {  	v3 =	vld [tilespmem:$0x30];
	_ =	sdelay $0x4  }
0x293: {  	v43 =	vshrl.u32 v3, $0x3  }
0x294: {  	v4 =	vmul.u32 $0x30, v43  }
0x295: {  	v3 =	vand.u32 $0x7, v3  }
0x296: {  	v3 =	vor.u32 v3, v4  }
0x297: {  	v4 =	vperm.xlane v3, v0;
	_ =	sdelay $0x1  }
0x298: {  	v4 =	vadd.s32 v1, v4;
	_ =	sdelay $0x3  }
0x299: {  	s30 =	simm.s32 $0x9080;
	v3 =	vperm.xlane v3, v2  }
0x29a: {  	[tilespmem:s30], [sflag:$0x1] =	stream.indirect_vreg.gather [hbm4b:s3+s6], $0x80, v4, vm0, $0xb8;
	[tilespmem:$0x18080] =	vst v63  }
0x29b: {  	s31 =	simm.s32 $0x9880;
	v3 =	vadd.s32 v1, v3  }
0x29c: {  	[tilespmem:s31], [sflag:$0x1] =	stream.indirect_vreg.gather [hbm4b:s15+s6], $0x80, v4, vm0, $0xb8;
	[tilespmem:$0x18080] =	vst v63  }
0x29d: {  	s4 =	simm.s32 $0xA080  }
0x29e: {  	[tilespmem:s4], [sflag:$0x1] =	stream.indirect_vreg.gather [hbm4b:s16+s6], $0x80, v4, vm0, $0xb8;
	[tilespmem:$0x18080] =	vst v63  }
0x29f: {  	s5 =	simm.s32 $0xA880  }
0x2a0: {  	[tilespmem:s5], [sflag:$0x1] =	stream.indirect_vreg.gather [hbm4b:s3+s6], $0x80, v3, vm0, $0xb8;
	[tilespmem:$0x18080] =	vst v63  }
0x2a1: {  	s7 =	simm.s32 $0xB080  }
0x2a2: {  	[tilespmem:s7], [sflag:$0x1] =	stream.indirect_vreg.gather [hbm4b:s15+s6], $0x80, v3, vm0, $0xb8;
	[tilespmem:$0x18080] =	vst v63  }
0x2a3: {  	s7 =	simm.s32 $0xB880  }
0x2a4: {  	[tilespmem:s7], [sflag:$0x1] =	stream.indirect_vreg.gather [hbm4b:s16+s6], $0x80, v3, vm0, $0xb8;
	[tilespmem:$0x18080] =	vst v63  }
0x2a5: {  	_ =	swait.ge [sflag:s25], $0xC000  }
0x2a6: {  	[sflag:s25] =	ssyncset.done $0x0  }
0x2a7: {  	s8 =	rddreg [dreg:$0x19];
	[sflag:s25] =	ssyncadd.s32 $0xFFFF4000  }
0x2a8: {  	[hbm4b:s8+s6] =	stream.linear.scatter [tilespmem:s28], [sflag:$0x4], $0xC000, $0x38;
	[tilespmem:$0x18080] =	vst v63  }
0x2a9: {  	s21 =	rddreg [dreg:$0x1a]  }
0x2aa: {  	[hbm4b:s21+s6] =	stream.linear.scatter [tilespmem:s28], [sflag:$0x4], $0xC000, $0x38;
	[tilespmem:$0x18080] =	vst v63  }
0x2ab: {  	_ =	swait.ge [sflag:s26], $0xC000  }
0x2ac: {  	[sflag:s26] =	ssyncset.done $0x0  }
0x2ad: {  	[sflag:s26] =	ssyncadd.s32 $0xFFFF4000  }
0x2ae: {  	_ =	swait.ge [sflag:s26], $0xC000  }
0x2af: {  	[sflag:s26] =	ssyncset.done $0x0  }
0x2b0: {  	[sflag:s26] =	ssyncadd.s32 $0xFFFF4000  }
0x2b1: {  	v3 =	vld [tilespmem:$0x40];
	_ =	sdelay $0x4  }
0x2b2: {  	v44 =	vshrl.u32 v3, $0x3  }
0x2b3: {  	v4 =	vmul.u32 $0x30, v44  }
0x2b4: {  	v3 =	vand.u32 $0x7, v3  }
0x2b5: {  	v3 =	vor.u32 v3, v4  }
0x2b6: {  	v4 =	vperm.xlane v3, v0;
	_ =	sdelay $0x1  }
0x2b7: {  	v4 =	vadd.s32 v1, v4;
	_ =	sdelay $0x3  }
0x2b8: {  	v3 =	vperm.xlane v3, v2  }
0x2b9: {  	[tilespmem:s28], [sflag:$0x2] =	stream.indirect_vreg.gather [hbm4b:s3+s6], $0x80, v4, vm0, $0xb8;
	[tilespmem:$0x18080] =	vst v63  }
0x2ba: {  	s30 =	simm.s32 $0xC880;
	v3 =	vadd.s32 v1, v3  }
0x2bb: {  	[tilespmem:s30], [sflag:$0x2] =	stream.indirect_vreg.gather [hbm4b:s15+s6], $0x80, v4, vm0, $0xb8;
	[tilespmem:$0x18080] =	vst v63  }
0x2bc: {  	s4 =	simm.s32 $0xD080  }
0x2bd: {  	[tilespmem:s4], [sflag:$0x2] =	stream.indirect_vreg.gather [hbm4b:s16+s6], $0x80, v4, vm0, $0xb8;
	[tilespmem:$0x18080] =	vst v63  }
0x2be: {  	s5 =	simm.s32 $0xD880  }
0x2bf: {  	[tilespmem:s5], [sflag:$0x2] =	stream.indirect_vreg.gather [hbm4b:s3+s6], $0x80, v3, vm0, $0xb8;
	[tilespmem:$0x18080] =	vst v63  }
0x2c0: {  	s8 =	simm.s32 $0xE080  }
0x2c1: {  	[tilespmem:s8], [sflag:$0x2] =	stream.indirect_vreg.gather [hbm4b:s15+s6], $0x80, v3, vm0, $0xb8;
	[tilespmem:$0x18080] =	vst v63  }
0x2c2: {  	s31 =	simm.s32 $0xE880  }
0x2c3: {  	[tilespmem:s31], [sflag:$0x2] =	stream.indirect_vreg.gather [hbm4b:s16+s6], $0x80, v3, vm0, $0xb8;
	[tilespmem:$0x18080] =	vst v63  }
0x2c4: {  	v3 =	vld [tilespmem:$0x50];
	_ =	sdelay $0x4  }
0x2c5: {  	v45 =	vshrl.u32 v3, $0x3  }
0x2c6: {  	v4 =	vmul.u32 $0x30, v45  }
0x2c7: {  	v3 =	vand.u32 $0x7, v3  }
0x2c8: {  	v3 =	vor.u32 v3, v4  }
0x2c9: {  	v4 =	vperm.xlane v3, v0;
	_ =	sdelay $0x1  }
0x2ca: {  	v4 =	vadd.s32 v1, v4;
	_ =	sdelay $0x3  }
0x2cb: {  	s21 =	simm.s32 $0xF080;
	v3 =	vperm.xlane v3, v2  }
0x2cc: {  	[tilespmem:s21], [sflag:$0x2] =	stream.indirect_vreg.gather [hbm4b:s3+s6], $0x80, v4, vm0, $0xb8;
	[tilespmem:$0x18080] =	vst v63  }
0x2cd: {  	v3 =	vadd.s32 v1, v3;
	s21 =	simm.s32 $0xF880  }
0x2ce: {  	[tilespmem:s21], [sflag:$0x2] =	stream.indirect_vreg.gather [hbm4b:s15+s6], $0x80, v4, vm0, $0xb8;
	[tilespmem:$0x18080] =	vst v63  }
0x2cf: {  	s31 =	simm.s32 $0x10080  }
0x2d0: {  	[tilespmem:s31], [sflag:$0x2] =	stream.indirect_vreg.gather [hbm4b:s16+s6], $0x80, v4, vm0, $0xb8;
	[tilespmem:$0x18080] =	vst v63  }
0x2d1: {  	s29 =	simm.s32 $0x10880  }
0x2d2: {  	[tilespmem:s29], [sflag:$0x2] =	stream.indirect_vreg.gather [hbm4b:s3+s6], $0x80, v3, vm0, $0xb8;
	[tilespmem:$0x18080] =	vst v63  }
0x2d3: {  	s30 =	simm.s32 $0x11080  }
0x2d4: {  	[tilespmem:s30], [sflag:$0x2] =	stream.indirect_vreg.gather [hbm4b:s15+s6], $0x80, v3, vm0, $0xb8;
	[tilespmem:$0x18080] =	vst v63  }
0x2d5: {  	s29 =	simm.s32 $0x11880  }
0x2d6: {  	[tilespmem:s29], [sflag:$0x2] =	stream.indirect_vreg.gather [hbm4b:s16+s6], $0x80, v3, vm0, $0xb8;
	[tilespmem:$0x18080] =	vst v63  }
0x2d7: {  	v3 =	vld [tilespmem:$0x60];
	_ =	sdelay $0x4  }
0x2d8: {  	v46 =	vshrl.u32 v3, $0x3  }
0x2d9: {  	v4 =	vmul.u32 $0x30, v46  }
0x2da: {  	v3 =	vand.u32 $0x7, v3  }
0x2db: {  	v3 =	vor.u32 v3, v4  }
0x2dc: {  	v4 =	vperm.xlane v3, v0;
	_ =	sdelay $0x1  }
0x2dd: {  	v4 =	vadd.s32 v1, v4;
	_ =	sdelay $0x3  }
0x2de: {  	s30 =	simm.s32 $0x12080;
	v3 =	vperm.xlane v3, v2  }
0x2df: {  	[tilespmem:s30], [sflag:$0x2] =	stream.indirect_vreg.gather [hbm4b:s3+s6], $0x80, v4, vm0, $0xb8;
	[tilespmem:$0x18080] =	vst v63  }
0x2e0: {  	s29 =	simm.s32 $0x12880;
	v3 =	vadd.s32 v1, v3  }
0x2e1: {  	[tilespmem:s29], [sflag:$0x2] =	stream.indirect_vreg.gather [hbm4b:s15+s6], $0x80, v4, vm0, $0xb8;
	[tilespmem:$0x18080] =	vst v63  }
0x2e2: {  	s30 =	simm.s32 $0x13080  }
0x2e3: {  	[tilespmem:s30], [sflag:$0x2] =	stream.indirect_vreg.gather [hbm4b:s16+s6], $0x80, v4, vm0, $0xb8;
	[tilespmem:$0x18080] =	vst v63  }
0x2e4: {  	s29 =	simm.s32 $0x13880  }
0x2e5: {  	[tilespmem:s29], [sflag:$0x2] =	stream.indirect_vreg.gather [hbm4b:s3+s6], $0x80, v3, vm0, $0xb8;
	[tilespmem:$0x18080] =	vst v63  }
0x2e6: {  	s30 =	simm.s32 $0x14080  }
0x2e7: {  	[tilespmem:s30], [sflag:$0x2] =	stream.indirect_vreg.gather [hbm4b:s15+s6], $0x80, v3, vm0, $0xb8;
	[tilespmem:$0x18080] =	vst v63  }
0x2e8: {  	s29 =	simm.s32 $0x14880  }
0x2e9: {  	[tilespmem:s29], [sflag:$0x2] =	stream.indirect_vreg.gather [hbm4b:s16+s6], $0x80, v3, vm0, $0xb8;
	[tilespmem:$0x18080] =	vst v63  }
0x2ea: {  	v3 =	vld [tilespmem:$0x70];
	_ =	sdelay $0x4  }
0x2eb: {  	v47 =	vshrl.u32 v3, $0x3  }
0x2ec: {  	v4 =	vmul.u32 $0x30, v47  }
0x2ed: {  	v3 =	vand.u32 $0x7, v3  }
0x2ee: {  	v3 =	vor.u32 v3, v4  }
0x2ef: {  	v4 =	vperm.xlane v3, v0;
	_ =	sdelay $0x1  }
0x2f0: {  	v4 =	vadd.s32 v1, v4;
	_ =	sdelay $0x3  }
0x2f1: {  	s30 =	simm.s32 $0x15080;
	v3 =	vperm.xlane v3, v2  }
0x2f2: {  	[tilespmem:s30], [sflag:$0x2] =	stream.indirect_vreg.gather [hbm4b:s3+s6], $0x80, v4, vm0, $0xb8;
	[tilespmem:$0x18080] =	vst v63  }
0x2f3: {  	s29 =	simm.s32 $0x15880;
	v3 =	vadd.s32 v1, v3  }
0x2f4: {  	[tilespmem:s29], [sflag:$0x2] =	stream.indirect_vreg.gather [hbm4b:s15+s6], $0x80, v4, vm0, $0xb8;
	[tilespmem:$0x18080] =	vst v63  }
0x2f5: {  	s30 =	simm.s32 $0x16080  }
0x2f6: {  	[tilespmem:s30], [sflag:$0x2] =	stream.indirect_vreg.gather [hbm4b:s16+s6], $0x80, v4, vm0, $0xb8;
	[tilespmem:$0x18080] =	vst v63  }
0x2f7: {  	s0 =	simm.s32 $0x16880  }
0x2f8: {  	[tilespmem:s0], [sflag:$0x2] =	stream.indirect_vreg.gather [hbm4b:s3+s6], $0x80, v3, vm0, $0xb8;
	[tilespmem:$0x18080] =	vst v63  }
0x2f9: {  	s29 =	simm.s32 $0x17080  }
0x2fa: {  	[tilespmem:s29], [sflag:$0x2] =	stream.indirect_vreg.gather [hbm4b:s15+s6], $0x80, v3, vm0, $0xb8;
	[tilespmem:$0x18080] =	vst v63  }
0x2fb: {  	s30 =	simm.s32 $0x17880  }
0x2fc: {  	[tilespmem:s30], [sflag:$0x2] =	stream.indirect_vreg.gather [hbm4b:s16+s6], $0x80, v3, vm0, $0xb8;
	[tilespmem:$0x18080] =	vst v63  }
0x2fd: {  	_ =	swait.ge [sflag:s22], $0xC000  }
0x2fe: {  	[sflag:s22] =	ssyncset.done $0x0  }
0x2ff: {  	s29 =	rddreg [dreg:$0x1b];
	[sflag:s22] =	ssyncadd.s32 $0xFFFF4000  }
0x300: {  	[hbm4b:s29+s6] =	stream.linear.scatter [tilespmem:s23], [sflag:$0x3], $0xC000, $0x38;
	[tilespmem:$0x18080] =	vst v63  }
0x301: {  	s3 =	rddreg [dreg:$0x1c]  }
0x302: {  	[hbm4b:s3+s6] =	stream.linear.scatter [tilespmem:s23], [sflag:$0x3], $0xC000, $0x38;
	[tilespmem:$0x18080] =	vst v63  }
0x303: {  	_ =	swait.ge [sflag:s24], $0xC000  }
0x304: {  	[sflag:s24] =	ssyncset.done $0x0  }
0x305: {  	[sflag:s24] =	ssyncadd.s32 $0xFFFF4000  }
0x306: {  	_ =	swait.ge [sflag:s24], $0xC000  }
0x307: {  	[sflag:s24] =	ssyncset.done $0x0  }
0x308: {  	[sflag:s24] =	ssyncadd.s32 $0xFFFF4000  }
0x309: {  	v3 =	vld [tilespmem:$0x0];
	_ =	sdelay $0x4  }
0x30a: {  	v48 =	vshrl.u32 v3, $0x3  }
0x30b: {  	v4 =	vmul.u32 $0x30, v48  }
0x30c: {  	v3 =	vand.u32 $0x7, v3  }
0x30d: {  	v3 =	vor.u32 v3, v4  }
0x30e: {  	v4 =	vperm.xlane v3, v0;
	_ =	sdelay $0x1  }
0x30f: {  	v4 =	vadd.s32 v1, v4;
	_ =	sdelay $0x3  }
0x310: {  	s3 =	rddreg [dreg:$0x5];
	v3 =	vperm.xlane v3, v2  }
0x311: {  	[tilespmem:s23], [sflag:$0x1] =	stream.indirect_vreg.gather [hbm4b:s3+s6], $0x80, v4, vm0, $0xb8;
	[tilespmem:$0x18080] =	vst v63  }
0x312: {  	s30 =	simm.s32 $0x880;
	v3 =	vadd.s32 v1, v3  }
0x313: {  	[tilespmem:s30], [sflag:$0x1] =	stream.indirect_vreg.gather [hbm4b:s17+s6], $0x80, v4, vm0, $0xb8;
	[tilespmem:$0x18080] =	vst v63  }
0x314: {  	s30 =	simm.s32 $0x1080  }
0x315: {  	[tilespmem:s30], [sflag:$0x1] =	stream.indirect_vreg.gather [hbm4b:s18+s6], $0x80, v4, vm0, $0xb8;
	[tilespmem:$0x18080] =	vst v63  }
0x316: {  	s30 =	simm.s32 $0x1880  }
0x317: {  	[tilespmem:s30], [sflag:$0x1] =	stream.indirect_vreg.gather [hbm4b:s3+s6], $0x80, v3, vm0, $0xb8;
	[tilespmem:$0x18080] =	vst v63  }
0x318: {  	s30 =	simm.s32 $0x2080  }
0x319: {  	[tilespmem:s30], [sflag:$0x1] =	stream.indirect_vreg.gather [hbm4b:s17+s6], $0x80, v3, vm0, $0xb8;
	[tilespmem:$0x18080] =	vst v63  }
0x31a: {  	s30 =	simm.s32 $0x2880  }
0x31b: {  	[tilespmem:s30], [sflag:$0x1] =	stream.indirect_vreg.gather [hbm4b:s18+s6], $0x80, v3, vm0, $0xb8;
	[tilespmem:$0x18080] =	vst v63  }
0x31c: {  	v3 =	vld [tilespmem:$0x10];
	_ =	sdelay $0x4  }
0x31d: {  	v49 =	vshrl.u32 v3, $0x3  }
0x31e: {  	v4 =	vmul.u32 $0x30, v49  }
0x31f: {  	v3 =	vand.u32 $0x7, v3  }
0x320: {  	v3 =	vor.u32 v3, v4  }
0x321: {  	v4 =	vperm.xlane v3, v0;
	_ =	sdelay $0x1  }
0x322: {  	v4 =	vadd.s32 v1, v4;
	_ =	sdelay $0x3  }
0x323: {  	s30 =	simm.s32 $0x3080;
	v3 =	vperm.xlane v3, v2  }
0x324: {  	[tilespmem:s30], [sflag:$0x1] =	stream.indirect_vreg.gather [hbm4b:s3+s6], $0x80, v4, vm0, $0xb8;
	[tilespmem:$0x18080] =	vst v63  }
0x325: {  	v3 =	vadd.s32 v1, v3;
	s30 =	simm.s32 $0x3880  }
0x326: {  	[tilespmem:s30], [sflag:$0x1] =	stream.indirect_vreg.gather [hbm4b:s17+s6], $0x80, v4, vm0, $0xb8;
	[tilespmem:$0x18080] =	vst v63  }
0x327: {  	s30 =	simm.s32 $0x4080  }
0x328: {  	[tilespmem:s30], [sflag:$0x1] =	stream.indirect_vreg.gather [hbm4b:s18+s6], $0x80, v4, vm0, $0xb8;
	[tilespmem:$0x18080] =	vst v63  }
0x329: {  	_ = 	snop  }
0x32a: {  	[tilespmem:s2], [sflag:$0x1] =	stream.indirect_vreg.gather [hbm4b:s3+s6], $0x80, v3, vm0, $0xb8;
	[tilespmem:$0x18080] =	vst v63  }
0x32b: {  	s30 =	simm.s32 $0x5080  }
0x32c: {  	[tilespmem:s30], [sflag:$0x1] =	stream.indirect_vreg.gather [hbm4b:s17+s6], $0x80, v3, vm0, $0xb8;
	[tilespmem:$0x18080] =	vst v63  }
0x32d: {  	s30 =	simm.s32 $0x5880  }
0x32e: {  	[tilespmem:s30], [sflag:$0x1] =	stream.indirect_vreg.gather [hbm4b:s18+s6], $0x80, v3, vm0, $0xb8;
	[tilespmem:$0x18080] =	vst v63  }
0x32f: {  	v3 =	vld [tilespmem:$0x20];
	_ =	sdelay $0x4  }
0x330: {  	v50 =	vshrl.u32 v3, $0x3  }
0x331: {  	v4 =	vmul.u32 $0x30, v50  }
0x332: {  	v3 =	vand.u32 $0x7, v3  }
0x333: {  	v3 =	vor.u32 v3, v4  }
0x334: {  	v4 =	vperm.xlane v3, v0;
	_ =	sdelay $0x1  }
0x335: {  	v4 =	vadd.s32 v1, v4;
	_ =	sdelay $0x3  }
0x336: {  	s30 =	simm.s32 $0x6080;
	v3 =	vperm.xlane v3, v2  }
0x337: {  	[tilespmem:s30], [sflag:$0x1] =	stream.indirect_vreg.gather [hbm4b:s3+s6], $0x80, v4, vm0, $0xb8;
	[tilespmem:$0x18080] =	vst v63  }
0x338: {  	v3 =	vadd.s32 v1, v3;
	s30 =	simm.s32 $0x6880  }
0x339: {  	[tilespmem:s30], [sflag:$0x1] =	stream.indirect_vreg.gather [hbm4b:s17+s6], $0x80, v4, vm0, $0xb8;
	[tilespmem:$0x18080] =	vst v63  }
0x33a: {  	s30 =	simm.s32 $0x7080  }
0x33b: {  	[tilespmem:s30], [sflag:$0x1] =	stream.indirect_vreg.gather [hbm4b:s18+s6], $0x80, v4, vm0, $0xb8;
	[tilespmem:$0x18080] =	vst v63  }
0x33c: {  	s30 =	simm.s32 $0x7880  }
0x33d: {  	[tilespmem:s30], [sflag:$0x1] =	stream.indirect_vreg.gather [hbm4b:s3+s6], $0x80, v3, vm0, $0xb8;
	[tilespmem:$0x18080] =	vst v63  }
0x33e: {  	_ = 	snop  }
0x33f: {  	[tilespmem:s1], [sflag:$0x1] =	stream.indirect_vreg.gather [hbm4b:s17+s6], $0x80, v3, vm0, $0xb8;
	[tilespmem:$0x18080] =	vst v63  }
0x340: {  	s30 =	simm.s32 $0x8880  }
0x341: {  	[tilespmem:s30], [sflag:$0x1] =	stream.indirect_vreg.gather [hbm4b:s18+s6], $0x80, v3, vm0, $0xb8;
	[tilespmem:$0x18080] =	vst v63  }
0x342: {  	v3 =	vld [tilespmem:$0x30];
	_ =	sdelay $0x4  }
0x343: {  	v51 =	vshrl.u32 v3, $0x3  }
0x344: {  	v4 =	vmul.u32 $0x30, v51  }
0x345: {  	v3 =	vand.u32 $0x7, v3  }
0x346: {  	v3 =	vor.u32 v3, v4  }
0x347: {  	v4 =	vperm.xlane v3, v0;
	_ =	sdelay $0x1  }
0x348: {  	v4 =	vadd.s32 v1, v4;
	_ =	sdelay $0x3  }
0x349: {  	s30 =	simm.s32 $0x9080;
	v3 =	vperm.xlane v3, v2  }
0x34a: {  	[tilespmem:s30], [sflag:$0x1] =	stream.indirect_vreg.gather [hbm4b:s3+s6], $0x80, v4, vm0, $0xb8;
	[tilespmem:$0x18080] =	vst v63  }
0x34b: {  	v3 =	vadd.s32 v1, v3;
	s30 =	simm.s32 $0x9880  }
0x34c: {  	[tilespmem:s30], [sflag:$0x1] =	stream.indirect_vreg.gather [hbm4b:s17+s6], $0x80, v4, vm0, $0xb8;
	[tilespmem:$0x18080] =	vst v63  }
0x34d: {  	s30 =	simm.s32 $0xA080  }
0x34e: {  	[tilespmem:s30], [sflag:$0x1] =	stream.indirect_vreg.gather [hbm4b:s18+s6], $0x80, v4, vm0, $0xb8;
	[tilespmem:$0x18080] =	vst v63  }
0x34f: {  	s30 =	simm.s32 $0xA880  }
0x350: {  	[tilespmem:s30], [sflag:$0x1] =	stream.indirect_vreg.gather [hbm4b:s3+s6], $0x80, v3, vm0, $0xb8;
	[tilespmem:$0x18080] =	vst v63  }
0x351: {  	s30 =	simm.s32 $0xB080  }
0x352: {  	[tilespmem:s30], [sflag:$0x1] =	stream.indirect_vreg.gather [hbm4b:s17+s6], $0x80, v3, vm0, $0xb8;
	[tilespmem:$0x18080] =	vst v63  }
0x353: {  	_ = 	snop  }
0x354: {  	[tilespmem:s7], [sflag:$0x1] =	stream.indirect_vreg.gather [hbm4b:s18+s6], $0x80, v3, vm0, $0xb8;
	[tilespmem:$0x18080] =	vst v63  }
0x355: {  	_ =	swait.ge [sflag:s25], $0xC000  }
0x356: {  	[sflag:s25] =	ssyncset.done $0x0  }
0x357: {  	s29 =	rddreg [dreg:$0x1d];
	[sflag:s25] =	ssyncadd.s32 $0xFFFF4000  }
0x358: {  	[hbm4b:s29+s6] =	stream.linear.scatter [tilespmem:s28], [sflag:$0x4], $0xC000, $0x38;
	[tilespmem:$0x18080] =	vst v63  }
0x359: {  	s7 =	rddreg [dreg:$0x1e]  }
0x35a: {  	[hbm4b:s7+s6] =	stream.linear.scatter [tilespmem:s28], [sflag:$0x4], $0xC000, $0x38;
	[tilespmem:$0x18080] =	vst v63  }
0x35b: {  	_ =	swait.ge [sflag:s26], $0xC000  }
0x35c: {  	[sflag:s26] =	ssyncset.done $0x0  }
0x35d: {  	[sflag:s26] =	ssyncadd.s32 $0xFFFF4000  }
0x35e: {  	_ =	swait.ge [sflag:s26], $0xC000  }
0x35f: {  	[sflag:s26] =	ssyncset.done $0x0  }
0x360: {  	[sflag:s26] =	ssyncadd.s32 $0xFFFF4000  }
0x361: {  	v3 =	vld [tilespmem:$0x40];
	_ =	sdelay $0x4  }
0x362: {  	v52 =	vshrl.u32 v3, $0x3  }
0x363: {  	v4 =	vmul.u32 $0x30, v52  }
0x364: {  	v3 =	vand.u32 $0x7, v3  }
0x365: {  	v3 =	vor.u32 v3, v4  }
0x366: {  	v4 =	vperm.xlane v3, v0;
	_ =	sdelay $0x1  }
0x367: {  	v4 =	vadd.s32 v1, v4;
	_ =	sdelay $0x3  }
0x368: {  	v3 =	vperm.xlane v3, v2  }
0x369: {  	[tilespmem:s28], [sflag:$0x2] =	stream.indirect_vreg.gather [hbm4b:s3+s6], $0x80, v4, vm0, $0xb8;
	[tilespmem:$0x18080] =	vst v63  }
0x36a: {  	s30 =	simm.s32 $0xC880;
	v3 =	vadd.s32 v1, v3  }
0x36b: {  	[tilespmem:s30], [sflag:$0x2] =	stream.indirect_vreg.gather [hbm4b:s17+s6], $0x80, v4, vm0, $0xb8;
	[tilespmem:$0x18080] =	vst v63  }
0x36c: {  	_ = 	snop  }
0x36d: {  	[tilespmem:s4], [sflag:$0x2] =	stream.indirect_vreg.gather [hbm4b:s18+s6], $0x80, v4, vm0, $0xb8;
	[tilespmem:$0x18080] =	vst v63  }
0x36e: {  	_ = 	snop  }
0x36f: {  	[tilespmem:s5], [sflag:$0x2] =	stream.indirect_vreg.gather [hbm4b:s3+s6], $0x80, v3, vm0, $0xb8;
	[tilespmem:$0x18080] =	vst v63  }
0x370: {  	_ = 	snop  }
0x371: {  	[tilespmem:s8], [sflag:$0x2] =	stream.indirect_vreg.gather [hbm4b:s17+s6], $0x80, v3, vm0, $0xb8;
	[tilespmem:$0x18080] =	vst v63  }
0x372: {  	s29 =	simm.s32 $0xE880  }
0x373: {  	[tilespmem:s29], [sflag:$0x2] =	stream.indirect_vreg.gather [hbm4b:s18+s6], $0x80, v3, vm0, $0xb8;
	[tilespmem:$0x18080] =	vst v63  }
0x374: {  	v3 =	vld [tilespmem:$0x50];
	_ =	sdelay $0x4  }
0x375: {  	v53 =	vshrl.u32 v3, $0x3  }
0x376: {  	v4 =	vmul.u32 $0x30, v53  }
0x377: {  	v3 =	vand.u32 $0x7, v3  }
0x378: {  	v3 =	vor.u32 v3, v4  }
0x379: {  	v4 =	vperm.xlane v3, v0;
	_ =	sdelay $0x1  }
0x37a: {  	v4 =	vadd.s32 v1, v4;
	_ =	sdelay $0x3  }
0x37b: {  	s30 =	simm.s32 $0xF080;
	v3 =	vperm.xlane v3, v2  }
0x37c: {  	[tilespmem:s30], [sflag:$0x2] =	stream.indirect_vreg.gather [hbm4b:s3+s6], $0x80, v4, vm0, $0xb8;
	[tilespmem:$0x18080] =	vst v63  }
0x37d: {  	v3 =	vadd.s32 v1, v3  }
0x37e: {  	[tilespmem:s21], [sflag:$0x2] =	stream.indirect_vreg.gather [hbm4b:s17+s6], $0x80, v4, vm0, $0xb8;
	[tilespmem:$0x18080] =	vst v63  }
0x37f: {  	_ = 	snop  }
0x380: {  	[tilespmem:s31], [sflag:$0x2] =	stream.indirect_vreg.gather [hbm4b:s18+s6], $0x80, v4, vm0, $0xb8;
	[tilespmem:$0x18080] =	vst v63  }
0x381: {  	s29 =	simm.s32 $0x10880  }
0x382: {  	[tilespmem:s29], [sflag:$0x2] =	stream.indirect_vreg.gather [hbm4b:s3+s6], $0x80, v3, vm0, $0xb8;
	[tilespmem:$0x18080] =	vst v63  }
0x383: {  	s30 =	simm.s32 $0x11080  }
0x384: {  	[tilespmem:s30], [sflag:$0x2] =	stream.indirect_vreg.gather [hbm4b:s17+s6], $0x80, v3, vm0, $0xb8;
	[tilespmem:$0x18080] =	vst v63  }
0x385: {  	s29 =	simm.s32 $0x11880  }
0x386: {  	[tilespmem:s29], [sflag:$0x2] =	stream.indirect_vreg.gather [hbm4b:s18+s6], $0x80, v3, vm0, $0xb8;
	[tilespmem:$0x18080] =	vst v63  }
0x387: {  	v3 =	vld [tilespmem:$0x60];
	_ =	sdelay $0x4  }
0x388: {  	v54 =	vshrl.u32 v3, $0x3  }
0x389: {  	v4 =	vmul.u32 $0x30, v54  }
0x38a: {  	v3 =	vand.u32 $0x7, v3  }
0x38b: {  	v3 =	vor.u32 v3, v4  }
0x38c: {  	v4 =	vperm.xlane v3, v0;
	_ =	sdelay $0x1  }
0x38d: {  	v4 =	vadd.s32 v1, v4;
	_ =	sdelay $0x3  }
0x38e: {  	s30 =	simm.s32 $0x12080;
	v3 =	vperm.xlane v3, v2  }
0x38f: {  	[tilespmem:s30], [sflag:$0x2] =	stream.indirect_vreg.gather [hbm4b:s3+s6], $0x80, v4, vm0, $0xb8;
	[tilespmem:$0x18080] =	vst v63  }
0x390: {  	s29 =	simm.s32 $0x12880;
	v3 =	vadd.s32 v1, v3  }
0x391: {  	[tilespmem:s29], [sflag:$0x2] =	stream.indirect_vreg.gather [hbm4b:s17+s6], $0x80, v4, vm0, $0xb8;
	[tilespmem:$0x18080] =	vst v63  }
0x392: {  	s30 =	simm.s32 $0x13080  }
0x393: {  	[tilespmem:s30], [sflag:$0x2] =	stream.indirect_vreg.gather [hbm4b:s18+s6], $0x80, v4, vm0, $0xb8;
	[tilespmem:$0x18080] =	vst v63  }
0x394: {  	s29 =	simm.s32 $0x13880  }
0x395: {  	[tilespmem:s29], [sflag:$0x2] =	stream.indirect_vreg.gather [hbm4b:s3+s6], $0x80, v3, vm0, $0xb8;
	[tilespmem:$0x18080] =	vst v63  }
0x396: {  	s30 =	simm.s32 $0x14080  }
0x397: {  	[tilespmem:s30], [sflag:$0x2] =	stream.indirect_vreg.gather [hbm4b:s17+s6], $0x80, v3, vm0, $0xb8;
	[tilespmem:$0x18080] =	vst v63  }
0x398: {  	s29 =	simm.s32 $0x14880  }
0x399: {  	[tilespmem:s29], [sflag:$0x2] =	stream.indirect_vreg.gather [hbm4b:s18+s6], $0x80, v3, vm0, $0xb8;
	[tilespmem:$0x18080] =	vst v63  }
0x39a: {  	v3 =	vld [tilespmem:$0x70];
	_ =	sdelay $0x4  }
0x39b: {  	v55 =	vshrl.u32 v3, $0x3  }
0x39c: {  	v4 =	vmul.u32 $0x30, v55  }
0x39d: {  	v3 =	vand.u32 $0x7, v3  }
0x39e: {  	v3 =	vor.u32 v3, v4  }
0x39f: {  	v4 =	vperm.xlane v3, v0;
	_ =	sdelay $0x1  }
0x3a0: {  	v4 =	vadd.s32 v1, v4;
	_ =	sdelay $0x3  }
0x3a1: {  	s30 =	simm.s32 $0x15080;
	v3 =	vperm.xlane v3, v2  }
0x3a2: {  	[tilespmem:s30], [sflag:$0x2] =	stream.indirect_vreg.gather [hbm4b:s3+s6], $0x80, v4, vm0, $0xb8;
	[tilespmem:$0x18080] =	vst v63  }
0x3a3: {  	s29 =	simm.s32 $0x15880;
	v3 =	vadd.s32 v1, v3  }
0x3a4: {  	[tilespmem:s29], [sflag:$0x2] =	stream.indirect_vreg.gather [hbm4b:s17+s6], $0x80, v4, vm0, $0xb8;
	[tilespmem:$0x18080] =	vst v63  }
0x3a5: {  	s30 =	simm.s32 $0x16080  }
0x3a6: {  	[tilespmem:s30], [sflag:$0x2] =	stream.indirect_vreg.gather [hbm4b:s18+s6], $0x80, v4, vm0, $0xb8;
	[tilespmem:$0x18080] =	vst v63  }
0x3a7: {  	_ = 	snop  }
0x3a8: {  	[tilespmem:s0], [sflag:$0x2] =	stream.indirect_vreg.gather [hbm4b:s3+s6], $0x80, v3, vm0, $0xb8;
	[tilespmem:$0x18080] =	vst v63  }
0x3a9: {  	s29 =	simm.s32 $0x17080  }
0x3aa: {  	[tilespmem:s29], [sflag:$0x2] =	stream.indirect_vreg.gather [hbm4b:s17+s6], $0x80, v3, vm0, $0xb8;
	[tilespmem:$0x18080] =	vst v63  }
0x3ab: {  	s30 =	simm.s32 $0x17880  }
0x3ac: {  	[tilespmem:s30], [sflag:$0x2] =	stream.indirect_vreg.gather [hbm4b:s18+s6], $0x80, v3, vm0, $0xb8;
	[tilespmem:$0x18080] =	vst v63  }
0x3ad: {  	_ =	swait.ge [sflag:s22], $0xC000  }
0x3ae: {  	s3 =	rddreg [dreg:$0x1f];
	[sflag:s22] =	ssyncset.done $0x0  }
0x3af: {  	s7 =	sld [smem:$0x7F7];
	[sflag:s22] =	ssyncadd.s32 $0xFFFF4000  }
0x3b0: {  	[hbm4b:s3+s6] =	stream.linear.scatter [tilespmem:s23], [sflag:$0x3], $0xC000, $0x38;
	[tilespmem:$0x18080] =	vst v63  }
0x3b1: {  	_ = 	snop  }
0x3b2: {  	[hbm4b:s7+s6] =	stream.linear.scatter [tilespmem:s23], [sflag:$0x3], $0xC000, $0x38;
	[tilespmem:$0x18080] =	vst v63  }
0x3b3: {  	_ =	swait.ge [sflag:s24], $0xC000  }
0x3b4: {  	[sflag:s24] =	ssyncset.done $0x0  }
0x3b5: {  	[sflag:s24] =	ssyncadd.s32 $0xFFFF4000  }
0x3b6: {  	_ =	swait.ge [sflag:s24], $0xC000  }
0x3b7: {  	[sflag:s24] =	ssyncset.done $0x0  }
0x3b8: {  	[sflag:s24] =	ssyncadd.s32 $0xFFFF4000  }
0x3b9: {  	v3 =	vld [tilespmem:$0x0];
	_ =	sdelay $0x4  }
0x3ba: {  	v56 =	vshrl.u32 v3, $0x3  }
0x3bb: {  	v4 =	vmul.u32 $0x30, v56  }
0x3bc: {  	v3 =	vand.u32 $0x7, v3  }
0x3bd: {  	v3 =	vor.u32 v3, v4  }
0x3be: {  	v4 =	vperm.xlane v3, v0;
	_ =	sdelay $0x1  }
0x3bf: {  	v4 =	vadd.s32 v1, v4;
	_ =	sdelay $0x3  }
0x3c0: {  	s3 =	rddreg [dreg:$0x6];
	v3 =	vperm.xlane v3, v2  }
0x3c1: {  	[tilespmem:s23], [sflag:$0x1] =	stream.indirect_vreg.gather [hbm4b:s3+s6], $0x80, v4, vm0, $0xb8;
	[tilespmem:$0x18080] =	vst v63  }
0x3c2: {  	s29 =	simm.s32 $0x880;
	v3 =	vadd.s32 v1, v3  }
0x3c3: {  	[tilespmem:s29], [sflag:$0x1] =	stream.indirect_vreg.gather [hbm4b:s19+s6], $0x80, v4, vm0, $0xb8;
	[tilespmem:$0x18080] =	vst v63  }
0x3c4: {  	s30 =	simm.s32 $0x1080  }
0x3c5: {  	[tilespmem:s30], [sflag:$0x1] =	stream.indirect_vreg.gather [hbm4b:s20+s6], $0x80, v4, vm0, $0xb8;
	[tilespmem:$0x18080] =	vst v63  }
0x3c6: {  	s30 =	simm.s32 $0x1880  }
0x3c7: {  	[tilespmem:s30], [sflag:$0x1] =	stream.indirect_vreg.gather [hbm4b:s3+s6], $0x80, v3, vm0, $0xb8;
	[tilespmem:$0x18080] =	vst v63  }
0x3c8: {  	s30 =	simm.s32 $0x2080  }
0x3c9: {  	[tilespmem:s30], [sflag:$0x1] =	stream.indirect_vreg.gather [hbm4b:s19+s6], $0x80, v3, vm0, $0xb8;
	[tilespmem:$0x18080] =	vst v63  }
0x3ca: {  	s30 =	simm.s32 $0x2880  }
0x3cb: {  	[tilespmem:s30], [sflag:$0x1] =	stream.indirect_vreg.gather [hbm4b:s20+s6], $0x80, v3, vm0, $0xb8;
	[tilespmem:$0x18080] =	vst v63  }
0x3cc: {  	v3 =	vld [tilespmem:$0x10];
	_ =	sdelay $0x4  }
0x3cd: {  	v57 =	vshrl.u32 v3, $0x3  }
0x3ce: {  	v4 =	vmul.u32 $0x30, v57  }
0x3cf: {  	v3 =	vand.u32 $0x7, v3  }
0x3d0: {  	v3 =	vor.u32 v3, v4  }
0x3d1: {  	v4 =	vperm.xlane v3, v0;
	_ =	sdelay $0x1  }
0x3d2: {  	v4 =	vadd.s32 v1, v4;
	_ =	sdelay $0x3  }
0x3d3: {  	s30 =	simm.s32 $0x3080;
	v3 =	vperm.xlane v3, v2  }
0x3d4: {  	[tilespmem:s30], [sflag:$0x1] =	stream.indirect_vreg.gather [hbm4b:s3+s6], $0x80, v4, vm0, $0xb8;
	[tilespmem:$0x18080] =	vst v63  }
0x3d5: {  	v3 =	vadd.s32 v1, v3;
	s30 =	simm.s32 $0x3880  }
0x3d6: {  	[tilespmem:s30], [sflag:$0x1] =	stream.indirect_vreg.gather [hbm4b:s19+s6], $0x80, v4, vm0, $0xb8;
	[tilespmem:$0x18080] =	vst v63  }
0x3d7: {  	s30 =	simm.s32 $0x4080  }
0x3d8: {  	[tilespmem:s30], [sflag:$0x1] =	stream.indirect_vreg.gather [hbm4b:s20+s6], $0x80, v4, vm0, $0xb8;
	[tilespmem:$0x18080] =	vst v63  }
0x3d9: {  	s2 =	simm.s32 $0x4880  }
0x3da: {  	[tilespmem:s2], [sflag:$0x1] =	stream.indirect_vreg.gather [hbm4b:s3+s6], $0x80, v3, vm0, $0xb8;
	[tilespmem:$0x18080] =	vst v63  }
0x3db: {  	s30 =	simm.s32 $0x5080  }
0x3dc: {  	[tilespmem:s30], [sflag:$0x1] =	stream.indirect_vreg.gather [hbm4b:s19+s6], $0x80, v3, vm0, $0xb8;
	[tilespmem:$0x18080] =	vst v63  }
0x3dd: {  	s29 =	simm.s32 $0x5880  }
0x3de: {  	[tilespmem:s29], [sflag:$0x1] =	stream.indirect_vreg.gather [hbm4b:s20+s6], $0x80, v3, vm0, $0xb8;
	[tilespmem:$0x18080] =	vst v63  }
0x3df: {  	v3 =	vld [tilespmem:$0x20];
	_ =	sdelay $0x4  }
0x3e0: {  	v58 =	vshrl.u32 v3, $0x3  }
0x3e1: {  	v4 =	vmul.u32 $0x30, v58  }
0x3e2: {  	v3 =	vand.u32 $0x7, v3  }
0x3e3: {  	v3 =	vor.u32 v3, v4  }
0x3e4: {  	v4 =	vperm.xlane v3, v0;
	_ =	sdelay $0x1  }
0x3e5: {  	v4 =	vadd.s32 v1, v4;
	_ =	sdelay $0x3  }
0x3e6: {  	s30 =	simm.s32 $0x6080;
	v3 =	vperm.xlane v3, v2  }
0x3e7: {  	[tilespmem:s30], [sflag:$0x1] =	stream.indirect_vreg.gather [hbm4b:s3+s6], $0x80, v4, vm0, $0xb8;
	[tilespmem:$0x18080] =	vst v63  }
0x3e8: {  	s29 =	simm.s32 $0x6880;
	v3 =	vadd.s32 v1, v3  }
0x3e9: {  	[tilespmem:s29], [sflag:$0x1] =	stream.indirect_vreg.gather [hbm4b:s19+s6], $0x80, v4, vm0, $0xb8;
	[tilespmem:$0x18080] =	vst v63  }
0x3ea: {  	s30 =	simm.s32 $0x7080  }
0x3eb: {  	[tilespmem:s30], [sflag:$0x1] =	stream.indirect_vreg.gather [hbm4b:s20+s6], $0x80, v4, vm0, $0xb8;
	[tilespmem:$0x18080] =	vst v63  }
0x3ec: {  	s29 =	simm.s32 $0x7880  }
0x3ed: {  	[tilespmem:s29], [sflag:$0x1] =	stream.indirect_vreg.gather [hbm4b:s3+s6], $0x80, v3, vm0, $0xb8;
	[tilespmem:$0x18080] =	vst v63  }
0x3ee: {  	s1 =	simm.s32 $0x8080  }
0x3ef: {  	[tilespmem:s1], [sflag:$0x1] =	stream.indirect_vreg.gather [hbm4b:s19+s6], $0x80, v3, vm0, $0xb8;
	[tilespmem:$0x18080] =	vst v63  }
0x3f0: {  	s30 =	simm.s32 $0x8880  }
0x3f1: {  	[tilespmem:s30], [sflag:$0x1] =	stream.indirect_vreg.gather [hbm4b:s20+s6], $0x80, v3, vm0, $0xb8;
	[tilespmem:$0x18080] =	vst v63  }
0x3f2: {  	v3 =	vld [tilespmem:$0x30];
	_ =	sdelay $0x4  }
0x3f3: {  	v59 =	vshrl.u32 v3, $0x3  }
0x3f4: {  	v4 =	vmul.u32 $0x30, v59  }
0x3f5: {  	v3 =	vand.u32 $0x7, v3  }
0x3f6: {  	v3 =	vor.u32 v3, v4  }
0x3f7: {  	v4 =	vperm.xlane v3, v0;
	_ =	sdelay $0x1  }
0x3f8: {  	v4 =	vadd.s32 v1, v4;
	_ =	sdelay $0x3  }
0x3f9: {  	s2 =	simm.s32 $0x9080;
	v3 =	vperm.xlane v3, v2  }
0x3fa: {  	[tilespmem:s2], [sflag:$0x1] =	stream.indirect_vreg.gather [hbm4b:s3+s6], $0x80, v4, vm0, $0xb8;
	[tilespmem:$0x18080] =	vst v63  }
0x3fb: {  	s29 =	simm.s32 $0x9880;
	v3 =	vadd.s32 v1, v3  }
0x3fc: {  	[tilespmem:s29], [sflag:$0x1] =	stream.indirect_vreg.gather [hbm4b:s19+s6], $0x80, v4, vm0, $0xb8;
	[tilespmem:$0x18080] =	vst v63  }
0x3fd: {  	s30 =	simm.s32 $0xA080  }
0x3fe: {  	[tilespmem:s30], [sflag:$0x1] =	stream.indirect_vreg.gather [hbm4b:s20+s6], $0x80, v4, vm0, $0xb8;
	[tilespmem:$0x18080] =	vst v63  }
0x3ff: {  	s2 =	simm.s32 $0xA880  }
0x400: {  	[tilespmem:s2], [sflag:$0x1] =	stream.indirect_vreg.gather [hbm4b:s3+s6], $0x80, v3, vm0, $0xb8;
	[tilespmem:$0x18080] =	vst v63  }
0x401: {  	s29 =	simm.s32 $0xB080  }
0x402: {  	[tilespmem:s29], [sflag:$0x1] =	stream.indirect_vreg.gather [hbm4b:s19+s6], $0x80, v3, vm0, $0xb8;
	[tilespmem:$0x18080] =	vst v63  }
0x403: {  	s30 =	simm.s32 $0xB880  }
0x404: {  	[tilespmem:s30], [sflag:$0x1] =	stream.indirect_vreg.gather [hbm4b:s20+s6], $0x80, v3, vm0, $0xb8;
	[tilespmem:$0x18080] =	vst v63  }
0x405: {  	s7 =	sld [smem:$0x7F5];
	_ =	swait.ge [sflag:s25], $0xC000  }
0x406: {  	s2 =	sld [smem:$0x7F8]  }
0x407: {  	[sflag:s25] =	ssyncset.done $0x0  }
0x408: {  	s1 =	sld [smem:$0x7F9];
	[sflag:s25] =	ssyncadd.s32 $0xFFFF4000  }
0x409: {  	[hbm4b:s2+s6] =	stream.linear.scatter [tilespmem:s28], [sflag:$0x4], $0xC000, $0x38;
	[tilespmem:$0x18080] =	vst v63  }
0x40a: {  	_ = 	snop  }
0x40b: {  	[hbm4b:s1+s6] =	stream.linear.scatter [tilespmem:s28], [sflag:$0x4], $0xC000, $0x38;
	[tilespmem:$0x18080] =	vst v63  }
0x40c: {  	_ =	swait.ge [sflag:s26], $0xC000  }
0x40d: {  	[sflag:s26] =	ssyncset.done $0x0  }
0x40e: {  	[sflag:s26] =	ssyncadd.s32 $0xFFFF4000  }
0x40f: {  	_ =	swait.ge [sflag:s26], $0xC000  }
0x410: {  	[sflag:s26] =	ssyncset.done $0x0  }
0x411: {  	[sflag:s26] =	ssyncadd.s32 $0xFFFF4000  }
0x412: {  	v3 =	vld [tilespmem:$0x40];
	_ =	sdelay $0x4  }
0x413: {  	v60 =	vshrl.u32 v3, $0x3  }
0x414: {  	v4 =	vmul.u32 $0x30, v60  }
0x415: {  	v3 =	vand.u32 $0x7, v3  }
0x416: {  	v3 =	vor.u32 v3, v4  }
0x417: {  	v4 =	vperm.xlane v3, v0;
	_ =	sdelay $0x1  }
0x418: {  	v4 =	vadd.s32 v1, v4;
	_ =	sdelay $0x3  }
0x419: {  	v3 =	vperm.xlane v3, v2  }
0x41a: {  	[tilespmem:s28], [sflag:$0x2] =	stream.indirect_vreg.gather [hbm4b:s3+s6], $0x80, v4, vm0, $0xb8;
	[tilespmem:$0x18080] =	vst v63  }
0x41b: {  	s2 =	simm.s32 $0xC880;
	v3 =	vadd.s32 v1, v3  }
0x41c: {  	[tilespmem:s2], [sflag:$0x2] =	stream.indirect_vreg.gather [hbm4b:s19+s6], $0x80, v4, vm0, $0xb8;
	[tilespmem:$0x18080] =	vst v63  }
0x41d: {  	s4 =	simm.s32 $0xD080  }
0x41e: {  	[tilespmem:s4], [sflag:$0x2] =	stream.indirect_vreg.gather [hbm4b:s20+s6], $0x80, v4, vm0, $0xb8;
	[tilespmem:$0x18080] =	vst v63  }
0x41f: {  	s5 =	simm.s32 $0xD880  }
0x420: {  	[tilespmem:s5], [sflag:$0x2] =	stream.indirect_vreg.gather [hbm4b:s3+s6], $0x80, v3, vm0, $0xb8;
	[tilespmem:$0x18080] =	vst v63  }
0x421: {  	s8 =	simm.s32 $0xE080  }
0x422: {  	[tilespmem:s8], [sflag:$0x2] =	stream.indirect_vreg.gather [hbm4b:s19+s6], $0x80, v3, vm0, $0xb8;
	[tilespmem:$0x18080] =	vst v63  }
0x423: {  	s5 =	simm.s32 $0xE880  }
0x424: {  	[tilespmem:s5], [sflag:$0x2] =	stream.indirect_vreg.gather [hbm4b:s20+s6], $0x80, v3, vm0, $0xb8;
	[tilespmem:$0x18080] =	vst v63  }
0x425: {  	v3 =	vld [tilespmem:$0x50];
	_ =	sdelay $0x4  }
0x426: {  	v61 =	vshrl.u32 v3, $0x3  }
0x427: {  	v4 =	vmul.u32 $0x30, v61  }
0x428: {  	v3 =	vand.u32 $0x7, v3  }
0x429: {  	v3 =	vor.u32 v3, v4  }
0x42a: {  	v4 =	vperm.xlane v3, v0;
	_ =	sdelay $0x1  }
0x42b: {  	v4 =	vadd.s32 v1, v4;
	_ =	sdelay $0x3  }
0x42c: {  	s8 =	simm.s32 $0xF080;
	v3 =	vperm.xlane v3, v2  }
0x42d: {  	[tilespmem:s8], [sflag:$0x2] =	stream.indirect_vreg.gather [hbm4b:s3+s6], $0x80, v4, vm0, $0xb8;
	[tilespmem:$0x18080] =	vst v63  }
0x42e: {  	s21 =	simm.s32 $0xF880;
	v3 =	vadd.s32 v1, v3  }
0x42f: {  	[tilespmem:s21], [sflag:$0x2] =	stream.indirect_vreg.gather [hbm4b:s19+s6], $0x80, v4, vm0, $0xb8;
	[tilespmem:$0x18080] =	vst v63  }
0x430: {  	s31 =	simm.s32 $0x10080  }
0x431: {  	[tilespmem:s31], [sflag:$0x2] =	stream.indirect_vreg.gather [hbm4b:s20+s6], $0x80, v4, vm0, $0xb8;
	[tilespmem:$0x18080] =	vst v63  }
0x432: {  	s29 =	simm.s32 $0x10880  }
0x433: {  	[tilespmem:s29], [sflag:$0x2] =	stream.indirect_vreg.gather [hbm4b:s3+s6], $0x80, v3, vm0, $0xb8;
	[tilespmem:$0x18080] =	vst v63  }
0x434: {  	s30 =	simm.s32 $0x11080  }
0x435: {  	[tilespmem:s30], [sflag:$0x2] =	stream.indirect_vreg.gather [hbm4b:s19+s6], $0x80, v3, vm0, $0xb8;
	[tilespmem:$0x18080] =	vst v63  }
0x436: {  	s31 =	simm.s32 $0x11880  }
0x437: {  	[tilespmem:s31], [sflag:$0x2] =	stream.indirect_vreg.gather [hbm4b:s20+s6], $0x80, v3, vm0, $0xb8;
	[tilespmem:$0x18080] =	vst v63  }
0x438: {  	v3 =	vld [tilespmem:$0x60];
	_ =	sdelay $0x4  }
0x439: {  	v62 =	vshrl.u32 v3, $0x3  }
0x43a: {  	v4 =	vmul.u32 $0x30, v62  }
0x43b: {  	v3 =	vand.u32 $0x7, v3  }
0x43c: {  	v3 =	vor.u32 v3, v4  }
0x43d: {  	v4 =	vperm.xlane v3, v0;
	_ =	sdelay $0x1  }
0x43e: {  	v4 =	vadd.s32 v1, v4;
	_ =	sdelay $0x3  }
0x43f: {  	s2 =	simm.s32 $0x12080;
	v3 =	vperm.xlane v3, v2  }
0x440: {  	[tilespmem:s2], [sflag:$0x2] =	stream.indirect_vreg.gather [hbm4b:s3+s6], $0x80, v4, vm0, $0xb8;
	[tilespmem:$0x18080] =	vst v63  }
0x441: {  	s4 =	simm.s32 $0x12880;
	v3 =	vadd.s32 v1, v3  }
0x442: {  	[tilespmem:s4], [sflag:$0x2] =	stream.indirect_vreg.gather [hbm4b:s19+s6], $0x80, v4, vm0, $0xb8;
	[tilespmem:$0x18080] =	vst v63  }
0x443: {  	s5 =	simm.s32 $0x13080  }
0x444: {  	[tilespmem:s5], [sflag:$0x2] =	stream.indirect_vreg.gather [hbm4b:s20+s6], $0x80, v4, vm0, $0xb8;
	[tilespmem:$0x18080] =	vst v63  }
0x445: {  	s8 =	simm.s32 $0x13880  }
0x446: {  	[tilespmem:s8], [sflag:$0x2] =	stream.indirect_vreg.gather [hbm4b:s3+s6], $0x80, v3, vm0, $0xb8;
	[tilespmem:$0x18080] =	vst v63  }
0x447: {  	s21 =	simm.s32 $0x14080  }
0x448: {  	[tilespmem:s21], [sflag:$0x2] =	stream.indirect_vreg.gather [hbm4b:s19+s6], $0x80, v3, vm0, $0xb8;
	[tilespmem:$0x18080] =	vst v63  }
0x449: {  	s29 =	simm.s32 $0x14880  }
0x44a: {  	[tilespmem:s29], [sflag:$0x2] =	stream.indirect_vreg.gather [hbm4b:s20+s6], $0x80, v3, vm0, $0xb8;
	[tilespmem:$0x18080] =	vst v63  }
0x44b: {  	v3 =	vld [tilespmem:$0x70];
	_ =	sdelay $0x4  }
0x44c: {  	v63 =	vshrl.u32 v3, $0x3  }
0x44d: {  	v4 =	vmul.u32 $0x30, v63  }
0x44e: {  	v3 =	vand.u32 $0x7, v3  }
0x44f: {  	v3 =	vor.u32 v3, v4  }
0x450: {  	v4 =	vperm.xlane v3, v0;
	_ =	sdelay $0x1  }
0x451: {  	v4 =	vadd.s32 v1, v4;
	_ =	sdelay $0x3  }
0x452: {  	s30 =	simm.s32 $0x15080;
	v3 =	vperm.xlane v3, v2  }
0x453: {  	[tilespmem:s30], [sflag:$0x2] =	stream.indirect_vreg.gather [hbm4b:s3+s6], $0x80, v4, vm0, $0xb8;
	[tilespmem:$0x18080] =	vst v63  }
0x454: {  	s31 =	simm.s32 $0x15880;
	v3 =	vadd.s32 v1, v3  }
0x455: {  	[tilespmem:s31], [sflag:$0x2] =	stream.indirect_vreg.gather [hbm4b:s19+s6], $0x80, v4, vm0, $0xb8;
	[tilespmem:$0x18080] =	vst v63  }
0x456: {  	s2 =	simm.s32 $0x16080  }
0x457: {  	[tilespmem:s2], [sflag:$0x2] =	stream.indirect_vreg.gather [hbm4b:s20+s6], $0x80, v4, vm0, $0xb8;
	[tilespmem:$0x18080] =	vst v63  }
0x458: {  	s0 =	simm.s32 $0x16880  }
0x459: {  	[tilespmem:s0], [sflag:$0x2] =	stream.indirect_vreg.gather [hbm4b:s3+s6], $0x80, v3, vm0, $0xb8;
	[tilespmem:$0x18080] =	vst v63  }
0x45a: {  	s3 =	simm.s32 $0x17080  }
0x45b: {  	[tilespmem:s3], [sflag:$0x2] =	stream.indirect_vreg.gather [hbm4b:s19+s6], $0x80, v3, vm0, $0xb8;
	[tilespmem:$0x18080] =	vst v63  }
0x45c: {  	s4 =	simm.s32 $0x17880  }
0x45d: {  	[tilespmem:s4], [sflag:$0x2] =	stream.indirect_vreg.gather [hbm4b:s20+s6], $0x80, v3, vm0, $0xb8;
	[tilespmem:$0x18080] =	vst v63  }
0x45e: {  	_ =	swait.ge [sflag:s22], $0xC000  }
0x45f: {  	s5 =	sld [smem:$0x7FA]  }
0x460: {  	[sflag:s22] =	ssyncset.done $0x0  }
0x461: {  	s8 =	sld [smem:$0x7FB];
	[sflag:s22] =	ssyncadd.s32 $0xFFFF4000  }
0x462: {  	[hbm4b:s5+s6] =	stream.linear.scatter [tilespmem:s23], [sflag:$0x3], $0xC000, $0x38;
	[tilespmem:$0x18080] =	vst v63  }
0x463: {  	_ = 	snop  }
0x464: {  	[hbm4b:s8+s6] =	stream.linear.scatter [tilespmem:s23], [sflag:$0x3], $0xC000, $0x38;
	[tilespmem:$0x18080] =	vst v63  }
0x465: {  	_ =	swait.ge [sflag:s25], $0xC000  }
0x466: {  	s21 =	sld [smem:$0x7FC]  }
0x467: {  	[sflag:s25] =	ssyncset.done $0x0  }
0x468: {  	s31 =	sld [smem:$0x7FD];
	[sflag:s25] =	ssyncadd.s32 $0xFFFF4000  }
0x469: {  	[hbm4b:s21+s6] =	stream.linear.scatter [tilespmem:s28], [sflag:$0x4], $0xC000, $0x38;
	[tilespmem:$0x18080] =	vst v63  }
0x46a: {  	_ = 	snop  }
0x46b: {  	[hbm4b:s31+s6] =	stream.linear.scatter [tilespmem:s28], [sflag:$0x4], $0xC000, $0x38;
	[tilespmem:$0x18080] =	vst v63  }
0x46c: {  	_ =	swait.ge [sflag:s24], $0xC000  }
0x46d: {  	[sflag:s24] =	ssyncset.done $0x0  }
0x46e: {  	[sflag:s24] =	ssyncadd.s32 $0xFFFF4000  }
0x46f: {  	_ =	swait.ge [sflag:s24], $0xC000  }
0x470: {  	[sflag:s24] =	ssyncset.done $0x0  }
0x471: {  	[sflag:s24] =	ssyncadd.s32 $0xFFFF4000  }
0x472: {  	p0 =	sne.s32 s7, $0x1;
	_ =	swait.ge [sflag:s26], $0xC000  }
.Ltmp0:
0x473: {  	[sflag:s26] =	ssyncset.done $0x0;
	(pc) =	sbr.rel @p0 .LBB3_1-.Ltmp0, $4  }
0x474: {  	[sflag:s26] =	ssyncadd.s32 $0xFFFF4000  }
0x475: {  	_ =	swait.ge [sflag:s26], $0xC000  }
0x476: {  	[sflag:s26] =	ssyncset.done $0x0  }
0x477: {  	s7 =	sadd.s32 $0xFFFFFFFF, s7;
	[sflag:s26] =	ssyncadd.s32 $0xFFFF4000  }
0x478: {  	_ =	sfence.sel $0x180000  }
0x479: {  	[bflag:$0x0] =	sbarrier.arrive $0xFFFF  }
0x47a: {  	_ =	strace $0x90000047  }
0x47b: {  	s0 =	stileid.u32;
	[bflag:$0x2] =	sbarrier.arrive $0xFFFF  }
0x47c: {  	p0 =	sne.s32 s0, $0x0;
	s0 =	sld [smem:$0x7F6];
	_ =	sdelay $0x2  }
0x47d: {  	s0 =	sadd.s32 @!p0 $0x100000, s0  }
0x47e: {  	[sflag:s0] =	ssyncadd.tile.s32 @!p0 $0x1;
	_ =	shalt  }
.Lfunc_end3:
_tile_overlayer_lowered:
.L_overlay_start_3:
0x47f: {  	(tag) =	ssettag $0x3  }
0x480: {  	s0 =	rddreg [dreg:$0x0];
	s2 =	stileid.u32  }
0x481: {  	s1 =	rddreg [dreg:$0x1];
	p0 =	sne.s32 s2, $0x0  }
0x482: {  	s3 =	rddreg [dreg:$0x2];
	[bflag:$0x3] =	sbarrier.arrive $0xFFFF;
	s2 =	simm.s32 @!p0 $0x1C05  }
0x483: {  	[timem:s3], [sflag:s2] =	dma.local @!p0 [hbm:s0], s1  }
0x484: {  	s0 =	simm.s32 @!p0 $0x5  }
0x485: {  	_ =	swait.ge @!p0 [sflag:s0], s1  }
0x486: {  	s1 =	ssub.s32 @!p0 $0x0, s1;
	[sflag:s0] =	ssyncset.done @!p0 $0x0  }
0x487: {  	[sflag:s0] =	ssyncadd.s32 @!p0 s1  }
0x488: {  	[bflag:$0x3] =	sbarrier.arrive $0xFFFF  }
0x489: {  	_ =	shalt  }

</sc_bundles>
